<compile_context>
chip_gen: v7x
topology: tpu7x:2x2x1
jax: 0.10.2.dev20260603
libtpu: 0.0.44.dev20260713+nightly
codegen_flags: <defaults>
</compile_context>

<pallas_src>
import functools

import jax
import jax.numpy as jnp
from jax import lax
from jax.experimental import pallas as pl
from jax.experimental.pallas import tpu as pltpu
from jax.experimental.pallas import tpu_sc as plsc

_K = 1024
_D = 64
_B = 16
_HW = 1024
_N = _B * _HW

_L = 16
_P = 256
_BSC = 8


def _vq_full_body(x_ref, cb_ref, idx_ref, emb_ref):
    _argmin_common(x_ref, cb_ref, idx_ref, emb_ref)


def _argmin_body(x_ref, cb_ref, idx_ref):
    _argmin_common(x_ref, cb_ref, idx_ref, None)


def _argmin_common(x_ref, cb_ref, idx_ref, emb_ref):
    xT = x_ref[0]
    cb = cb_ref[...]
    scoresT = lax.dot_general(cb, xT, (((1,), (0,)), ((), ())),
                              preferred_element_type=jnp.float32)
    x2 = jnp.sum(xT * xT, axis=0, keepdims=True)
    c2 = jnp.sum(cb * cb, axis=1, keepdims=True)
    d2 = (x2 + c2) - 2.0 * scoresT
    m2 = jnp.min(d2, axis=0, keepdims=True)
    m2c = jnp.maximum(m2, 0.0)
    s = jnp.sqrt(m2c)
    hb = lax.bitcast_convert_type(s * s, jnp.int32)
    hi = m2c
    for k in range(-4, 5):
        c = lax.bitcast_convert_type(hb + k, jnp.float32)
        ok = (c >= 0.0) & (jnp.sqrt(c) == s)
        hi = jnp.where(ok, jnp.maximum(hi, c), hi)
    hi = jnp.where(s > 0.0, hi, 0.0)
    kiota = lax.broadcasted_iota(jnp.int32, (_K, _HW), 0)
    idx = jnp.min(jnp.where(d2 <= hi, kiota, _K), axis=0)
    idx_ref[0] = idx.reshape(1, _HW)
    if emb_ref is not None:
        onehotT = (kiota == idx[None, :]).astype(jnp.float32)
        embT = lax.dot_general(cb, onehotT, (((0,), (0,)), ((), ())),
                               preferred_element_type=jnp.float32,
                               precision=lax.Precision.HIGHEST)
        emb_ref[0] = embT


def _vq_full(inp, codebook):
    return pl.pallas_call(
        _vq_full_body,
        grid=(_B,),
        in_specs=[
            pl.BlockSpec((1, _D, _HW), lambda b: (b, 0, 0)),
            pl.BlockSpec((_K, _D), lambda b: (0, 0)),
        ],
        out_specs=[
            pl.BlockSpec((1, 1, _HW), lambda b: (b, 0, 0)),
            pl.BlockSpec((1, _D, _HW), lambda b: (b, 0, 0)),
        ],
        out_shape=[
            jax.ShapeDtypeStruct((_B, 1, _HW), jnp.int32),
            jax.ShapeDtypeStruct((_B, _D, _HW), jnp.float32),
        ],
    )(inp, codebook)


def _compute_idx(inp, codebook):
    return pl.pallas_call(
        _argmin_body,
        grid=(_B,),
        in_specs=[
            pl.BlockSpec((1, _D, _HW), lambda b: (b, 0, 0)),
            pl.BlockSpec((_K, _D), lambda b: (0, 0)),
        ],
        out_specs=pl.BlockSpec((1, 1, _HW), lambda b: (b, 0, 0)),
        out_shape=jax.ShapeDtypeStruct((_B, 1, _HW), jnp.int32),
    )(inp, codebook)


@functools.partial(
    pl.kernel,
    mesh=plsc.VectorSubcoreMesh(core_axis_name="c", subcore_axis_name="s"),
    compiler_params=pltpu.CompilerParams(needs_layout_passes=False,
                                         use_tc_tiling_on_sc=False),
    out_type=jax.ShapeDtypeStruct((_BSC * _D * 4, _P), jnp.float32),
    scratch_types=[
        pltpu.VMEM((2, 128), jnp.int32),
        pltpu.VMEM((_P, _D), jnp.float32),
        pltpu.VMEM((_P * (_D + 1),), jnp.float32),
        pltpu.VMEM((_D, _P), jnp.float32),
        pltpu.VMEM((_D,), jnp.int32),
        pltpu.SemaphoreType.DMA,
        pltpu.SemaphoreType.DMA,
    ],
)
def _sc_gather(cb_hbm, idx_hbm, out_hbm, idx_v, rows_v, rows_p, out_v, oidx_v,
               sem1, sem2):
    wid = lax.axis_index("s") * 2 + lax.axis_index("c")
    b = wid // 4
    quarter = wid % 4
    lane = lax.iota(jnp.int32, _L)
    cps = [
        pltpu.async_copy(idx_hbm.at[pl.ds(wid * _P + j * 128, 128)],
                         idx_v.at[j], sem1)
        for j in range(2)
    ]
    for q in range(_D // _L):
        oidx_v[pl.ds(q * _L, _L)] = (
            b * (_D * 4) + quarter + (q * _L + lane) * 4)
    for cp in cps:
        cp.wait()
    cps = [
        pltpu.async_copy(cb_hbm.at[idx_v.at[j]],
                         rows_v.at[pl.ds(j * 128, 128), :], sem2)
        for j in range(2)
    ]
    for cp in cps:
        cp.wait()

    def repitch(n, carry):
        for q in range(_D // _L):
            rows_p[pl.ds(n * (_D + 1) + q * _L, _L)] = (
                rows_v[n, pl.ds(q * _L, _L)])
        return carry

    lax.fori_loop(0, _P, repitch, 0)

    def body(g, carry):
        prow = g * _L + lane
        for d in range(_D):
            out_v[d, pl.ds(g * _L, _L)] = plsc.load_gather(
                rows_p, [prow * (_D + 1) + d])
        return carry

    lax.fori_loop(0, _P // _L, body, 0)
    pltpu.sync_copy(out_v, out_hbm.at[oidx_v])


def _onehot_body(idx_ref, cb_ref, emb_ref):
    idx = idx_ref[...].reshape(_HW)
    cb = cb_ref[...]
    kiota = lax.broadcasted_iota(jnp.int32, (_K, _HW), 0)
    onehotT = (kiota == idx[None, :]).astype(jnp.float32)
    embT = lax.dot_general(cb, onehotT, (((0,), (0,)), ((), ())),
                           preferred_element_type=jnp.float32,
                           precision=lax.Precision.HIGHEST)
    emb_ref[0] = embT


def _tc_gather_hi(idx3, codebook):
    return pl.pallas_call(
        _onehot_body,
        grid=(_B - _BSC,),
        in_specs=[
            pl.BlockSpec((1, 1, _HW), lambda b: (b + _BSC, 0, 0)),
            pl.BlockSpec((_K, _D), lambda b: (0, 0)),
        ],
        out_specs=pl.BlockSpec((1, _D, _HW), lambda b: (b, 0, 0)),
        out_shape=jax.ShapeDtypeStruct((_B - _BSC, _D, _HW), jnp.float32),
    )(idx3, codebook)


def kernel(input, codebook):
    inp = input.reshape(_B, _D, _HW)
    idx3 = _compute_idx(inp, codebook)
    emb_sc = _sc_gather(codebook, idx3.reshape(_N))
    emb_tc = _tc_gather_hi(idx3, codebook)
    emb3 = jnp.concatenate([emb_sc.reshape(_BSC, _D, _HW), emb_tc], axis=0)
    embed = emb3.reshape(_B, _D, 32, 32)
    idxes = idx3.reshape(_B, 32, 32)
    return (embed, idxes)

# --- scband reference (transcript-rebuilt; emitter-appended) ---
"""Pipeline reference for scband-vqlayer-19396072308997 (READ-ONLY COPY).

The authoritative reference and input builder live on the scoring server;
editing this copy changes nothing except your own understanding.
"""

import jax, jax.numpy as jnp
import numpy as np

NUM_EMBED = 1024
EMBED_DIM = 64
DIM = 1

def setup_inputs(seed: int = 0) -> dict:
    key = jax.random.key(seed)
    k1, k2 = jax.random.split(key)
    inp = jax.random.normal(k1, (16, 64, 32, 32), dtype=jnp.float32)
    codebook = jax.random.normal(k2, (NUM_EMBED, EMBED_DIM), dtype=jnp.float32)
    return {"input": inp, "codebook": codebook}

def reference(input, codebook):
    # moveaxis channel dim to last, flatten to (N, D)
    x = jnp.moveaxis(input, DIM, -1)
    batch_shape = x.shape[:-1]
    flat = x.reshape(-1, EMBED_DIM)
    # pairwise euclidean distances (torch.cdist equivalent)
    x2 = jnp.sum(flat * flat, axis=-1, keepdims=True)          # (N, 1)
    c2 = jnp.sum(codebook * codebook, axis=-1)[None, :]        # (1, K)
    d2 = x2 + c2 - 2.0 * (flat @ codebook.T)                   # (N, K)
    dists = jnp.sqrt(jnp.maximum(d2, 0.0))
    idxes_flat = jnp.argmin(dists, axis=-1)                    # (N,)
    embed_flat = jnp.take(codebook, idxes_flat, axis=0)        # (N, D)
    idxes = idxes_flat.reshape(batch_shape)
    embed = jnp.moveaxis(embed_flat.reshape(*batch_shape, EMBED_DIM), -1, DIM)
    return (embed, idxes)

if __name__ == "__main__":
    import jax
    _d = setup_inputs()
    print(jax.jit(kernel)(*tuple(_d.values())))

</pallas_src>

<mosaic_0001>
#map = affine_map<(d0, d1) -> (0, 0)>
#map1 = affine_map<(d0, d1) -> (0)>
module attributes {stable_mosaic.version = 14 : i64} {
  func.func @_sc_gather(%arg0: i32, %arg1: i32, %arg2: memref<1024x64xf32, #tpu.memory_space<hbm>>, %arg3: memref<16384xi32, #tpu.memory_space<hbm>>, %arg4: memref<2048x256xf32, #tpu.memory_space<hbm>>, %arg5: memref<2x128xi32, #tpu.memory_space<vmem>>, %arg6: memref<256x64xf32, #tpu.memory_space<vmem>>, %arg7: memref<16640xf32, #tpu.memory_space<vmem>>, %arg8: memref<64x256xf32, #tpu.memory_space<vmem>>, %arg9: memref<64xi32, #tpu.memory_space<vmem>>, %arg10: memref<!tpu.dma_semaphore, #tpu.memory_space<semaphore_mem>>, %arg11: memref<!tpu.dma_semaphore, #tpu.memory_space<semaphore_mem>>) attributes {dimension_semantics = [#tpu.dimension_semantics<core_parallel>, #tpu.dimension_semantics<subcore_parallel>], iteration_bounds = array<i64: 2, 16>, scalar_prefetch = 0 : i64, scratch_operands = 7 : i64, tpu.core_type = #tpu.core_type<sc_vector_subcore>, window_params = [{transform_indices = #map}, {transform_indices = #map1}, {transform_indices = #map}]} {
    %mul3A = arith.constant 2 : i32
    %mul3A_0 = arith.muli %arg1, %mul3A : i32
    %add3A = arith.addi %mul3A_0, %arg0 : i32
    %jit3A = arith.constant 4 : i32
    %div3A = arith.divsi %add3A, %jit3A : i32
    %sign3A = arith.constant 0 : i32
    %sign3A_1 = arith.cmpi sgt, %add3A, %sign3A : i32
    %sign3A_2 = arith.extui %sign3A_1 : i1 to i32
    %sign3A_3 = arith.constant 0 : i32
    %sign3A_4 = arith.cmpi slt, %add3A, %sign3A_3 : i32
    %sign3A_5 = arith.extui %sign3A_4 : i1 to i32
    %sign3A_6 = arith.subi %sign3A_2, %sign3A_5 : i32
    %sign3A_7 = arith.constant 0 : i32
    %sign3A_8 = arith.cmpi sgt, %jit3A, %sign3A_7 : i32
    %sign3A_9 = arith.extui %sign3A_8 : i1 to i32
    %sign3A_10 = arith.constant 0 : i32
    %sign3A_11 = arith.cmpi slt, %jit3A, %sign3A_10 : i32
    %sign3A_12 = arith.extui %sign3A_11 : i1 to i32
    %sign3A_13 = arith.subi %sign3A_9, %sign3A_12 : i32
    %ne3A = arith.cmpi ne, %sign3A_6, %sign3A_13 : i32
    %rem3A = arith.remsi %add3A, %jit3A : i32
    %ne3A_14 = arith.constant 0 : i32
    %ne3A_15 = arith.cmpi ne, %rem3A, %ne3A_14 : i32
    %and3A = arith.andi %ne3A, %ne3A_15 : i1
    %sub3A = arith.constant 1 : i32
    %sub3A_16 = arith.subi %div3A, %sub3A : i32
    %select_n3A = arith.select %and3A, %sub3A_16, %div3A : i32
    %jit3A_17 = arith.constant 4 : i32
    %eq3A = arith.constant 0 : i32
    %eq3A_18 = arith.cmpi eq, %jit3A_17, %eq3A : i32
    %jit3A_19 = arith.constant 1 : i32
    %select_n3A_20 = arith.select %eq3A_18, %jit3A_19, %jit3A_17 : i32
    %rem3A_21 = arith.remsi %add3A, %select_n3A_20 : i32
    %ne3A_22 = arith.constant 0 : i32
    %ne3A_23 = arith.cmpi ne, %rem3A_21, %ne3A_22 : i32
    %lt3A = arith.constant 0 : i32
    %lt3A_24 = arith.cmpi slt, %rem3A_21, %lt3A : i32
    %lt3A_25 = arith.constant 0 : i32
    %lt3A_26 = arith.cmpi slt, %select_n3A_20, %lt3A_25 : i32
    %ne3A_27 = arith.xori %lt3A_24, %lt3A_26 : i1
    %and3A_28 = arith.andi %ne3A_27, %ne3A_23 : i1
    %add3A_29 = arith.addi %rem3A_21, %select_n3A_20 : i32
    %select_n3A_30 = arith.select %and3A_28, %add3A_29, %rem3A_21 : i32
    %iota3A = tpu.iota {dimensions = array<i32: 0>} : vector<16xi32>
    %mul3A_31 = arith.constant 256 : i32
    %mul3A_32 = arith.muli %add3A, %mul3A_31 : i32
    %add3A_33 = arith.constant 0 : i32
    %add3A_34 = arith.addi %mul3A_32, %add3A_33 : i32
    %dma_start3A = arith.constant 0 : i32
    %dma_start3A_35 = arith.constant 0 : i32
    %dma_start3A_36 = tpu.memref_slice %arg5[%dma_start3A, %dma_start3A_35] : memref<2x128xi32, #tpu.memory_space<vmem>> -> memref<1x128xi32, #tpu.memory_space<vmem>>
    %dma_start3A_37 = tpu.memref_squeeze %dma_start3A_36 : memref<1x128xi32, #tpu.memory_space<vmem>> -> memref<128xi32, #tpu.memory_space<vmem>>
    %dma_start3A_38 = tpu.memref_slice %arg3[%add3A_34] : memref<16384xi32, #tpu.memory_space<hbm>> -> memref<128xi32, #tpu.memory_space<hbm>>
    %dma_start3A_39 = arith.constant 0 : i32
    %dma_start3A_40 = tpu.memref_slice %arg5[%dma_start3A, %dma_start3A_39] : memref<2x128xi32, #tpu.memory_space<vmem>> -> memref<1x128xi32, #tpu.memory_space<vmem>>
    %dma_start3A_41 = tpu.memref_squeeze %dma_start3A_40 : memref<1x128xi32, #tpu.memory_space<vmem>> -> memref<128xi32, #tpu.memory_space<vmem>>
    %dma_start3A_42 = tpu.memref_slice %arg3[%add3A_34] : memref<16384xi32, #tpu.memory_space<hbm>> -> memref<128xi32, #tpu.memory_space<hbm>>
    tpu.enqueue_dma source(%dma_start3A_42 : memref<128xi32, #tpu.memory_space<hbm>>) target(%dma_start3A_41 : memref<128xi32, #tpu.memory_space<vmem>>) target_semaphore(%arg10 : memref<!tpu.dma_semaphore, #tpu.memory_space<semaphore_mem>>)
    %mul3A_43 = arith.constant 256 : i32
    %mul3A_44 = arith.muli %add3A, %mul3A_43 : i32
    %add3A_45 = arith.constant 128 : i32
    %add3A_46 = arith.addi %mul3A_44, %add3A_45 : i32
    %dma_start3A_47 = arith.constant 1 : i32
    %dma_start3A_48 = arith.constant 0 : i32
    %dma_start3A_49 = tpu.memref_slice %arg5[%dma_start3A_47, %dma_start3A_48] : memref<2x128xi32, #tpu.memory_space<vmem>> -> memref<1x128xi32, #tpu.memory_space<vmem>>
    %dma_start3A_50 = tpu.memref_squeeze %dma_start3A_49 : memref<1x128xi32, #tpu.memory_space<vmem>> -> memref<128xi32, #tpu.memory_space<vmem>>
    %dma_start3A_51 = tpu.memref_slice %arg3[%add3A_46] : memref<16384xi32, #tpu.memory_space<hbm>> -> memref<128xi32, #tpu.memory_space<hbm>>
    %dma_start3A_52 = arith.constant 0 : i32
    %dma_start3A_53 = tpu.memref_slice %arg5[%dma_start3A_47, %dma_start3A_52] : memref<2x128xi32, #tpu.memory_space<vmem>> -> memref<1x128xi32, #tpu.memory_space<vmem>>
    %dma_start3A_54 = tpu.memref_squeeze %dma_start3A_53 : memref<1x128xi32, #tpu.memory_space<vmem>> -> memref<128xi32, #tpu.memory_space<vmem>>
    %dma_start3A_55 = tpu.memref_slice %arg3[%add3A_46] : memref<16384xi32, #tpu.memory_space<hbm>> -> memref<128xi32, #tpu.memory_space<hbm>>
    tpu.enqueue_dma source(%dma_start3A_55 : memref<128xi32, #tpu.memory_space<hbm>>) target(%dma_start3A_54 : memref<128xi32, #tpu.memory_space<vmem>>) target_semaphore(%arg10 : memref<!tpu.dma_semaphore, #tpu.memory_space<semaphore_mem>>)
    %mul3A_56 = arith.constant 256 : i32
    %mul3A_57 = arith.muli %select_n3A, %mul3A_56 : i32
    %add3A_58 = arith.addi %mul3A_57, %select_n3A_30 : i32
    %add3A_59 = arith.constant 0 : i32
    %add3A_60 = vector.broadcast %add3A_59 : i32 to vector<16xi32>
    %add3A_61 = arith.addi %add3A_60, %iota3A : vector<16xi32>
    %mul3A_62 = arith.constant 4 : i32
    %mul3A_63 = vector.broadcast %mul3A_62 : i32 to vector<16xi32>
    %mul3A_64 = arith.muli %add3A_61, %mul3A_63 : vector<16xi32>
    %add3A_65 = vector.broadcast %add3A_58 : i32 to vector<16xi32>
    %add3A_66 = arith.addi %add3A_65, %mul3A_64 : vector<16xi32>
    %swap3A = arith.constant 0 : index
    %swap3A_67 = tpu.vector_load %arg9[%swap3A] {strides = array<i32>} : memref<64xi32, #tpu.memory_space<vmem>>, vector<16xi32>,
    tpu.vector_store %arg9[%swap3A], %add3A_66 {strides = array<i32>} : memref<64xi32, #tpu.memory_space<vmem>>, vector<16xi32>,
    %mul3A_68 = arith.constant 256 : i32
    %mul3A_69 = arith.muli %select_n3A, %mul3A_68 : i32
    %add3A_70 = arith.addi %mul3A_69, %select_n3A_30 : i32
    %add3A_71 = arith.constant 16 : i32
    %add3A_72 = vector.broadcast %add3A_71 : i32 to vector<16xi32>
    %add3A_73 = arith.addi %add3A_72, %iota3A : vector<16xi32>
    %mul3A_74 = arith.constant 4 : i32
    %mul3A_75 = vector.broadcast %mul3A_74 : i32 to vector<16xi32>
    %mul3A_76 = arith.muli %add3A_73, %mul3A_75 : vector<16xi32>
    %add3A_77 = vector.broadcast %add3A_70 : i32 to vector<16xi32>
    %add3A_78 = arith.addi %add3A_77, %mul3A_76 : vector<16xi32>
    %swap3A_79 = arith.constant 16 : index
    %swap3A_80 = tpu.vector_load %arg9[%swap3A_79] {strides = array<i32>} : memref<64xi32, #tpu.memory_space<vmem>>, vector<16xi32>,
    tpu.vector_store %arg9[%swap3A_79], %add3A_78 {strides = array<i32>} : memref<64xi32, #tpu.memory_space<vmem>>, vector<16xi32>,
    %mul3A_81 = arith.constant 256 : i32
    %mul3A_82 = arith.muli %select_n3A, %mul3A_81 : i32
    %add3A_83 = arith.addi %mul3A_82, %select_n3A_30 : i32
    %add3A_84 = arith.constant 32 : i32
    %add3A_85 = vector.broadcast %add3A_84 : i32 to vector<16xi32>
    %add3A_86 = arith.addi %add3A_85, %iota3A : vector<16xi32>
    %mul3A_87 = arith.constant 4 : i32
    %mul3A_88 = vector.broadcast %mul3A_87 : i32 to vector<16xi32>
    %mul3A_89 = arith.muli %add3A_86, %mul3A_88 : vector<16xi32>
    %add3A_90 = vector.broadcast %add3A_83 : i32 to vector<16xi32>
    %add3A_91 = arith.addi %add3A_90, %mul3A_89 : vector<16xi32>
    %swap3A_92 = arith.constant 32 : index
    %swap3A_93 = tpu.vector_load %arg9[%swap3A_92] {strides = array<i32>} : memref<64xi32, #tpu.memory_space<vmem>>, vector<16xi32>,
    tpu.vector_store %arg9[%swap3A_92], %add3A_91 {strides = array<i32>} : memref<64xi32, #tpu.memory_space<vmem>>, vector<16xi32>,
    %mul3A_94 = arith.constant 256 : i32
    %mul3A_95 = arith.muli %select_n3A, %mul3A_94 : i32
    %add3A_96 = arith.addi %mul3A_95, %select_n3A_30 : i32
    %add3A_97 = arith.constant 48 : i32
    %add3A_98 = vector.broadcast %add3A_97 : i32 to vector<16xi32>
    %add3A_99 = arith.addi %add3A_98, %iota3A : vector<16xi32>
    %mul3A_100 = arith.constant 4 : i32
    %mul3A_101 = vector.broadcast %mul3A_100 : i32 to vector<16xi32>
    %mul3A_102 = arith.muli %add3A_99, %mul3A_101 : vector<16xi32>
    %add3A_103 = vector.broadcast %add3A_96 : i32 to vector<16xi32>
    %add3A_104 = arith.addi %add3A_103, %mul3A_102 : vector<16xi32>
    %swap3A_105 = arith.constant 48 : index
    %swap3A_106 = tpu.vector_load %arg9[%swap3A_105] {strides = array<i32>} : memref<64xi32, #tpu.memory_space<vmem>>, vector<16xi32>,
    tpu.vector_store %arg9[%swap3A_105], %add3A_104 {strides = array<i32>} : memref<64xi32, #tpu.memory_space<vmem>>, vector<16xi32>,
    %dma_wait3A = arith.constant 0 : i32
    %dma_wait3A_107 = arith.constant 0 : i32
    %dma_wait3A_108 = tpu.memref_slice %arg5[%dma_wait3A, %dma_wait3A_107] : memref<2x128xi32, #tpu.memory_space<vmem>> -> memref<1x128xi32, #tpu.memory_space<vmem>>
    %dma_wait3A_109 = tpu.memref_squeeze %dma_wait3A_108 : memref<1x128xi32, #tpu.memory_space<vmem>> -> memref<128xi32, #tpu.memory_space<vmem>>
    %dma_wait3A_110 = tpu.memref_slice %arg3[%add3A_34] : memref<16384xi32, #tpu.memory_space<hbm>> -> memref<128xi32, #tpu.memory_space<hbm>>
    %dma_wait3A_111 = arith.constant 0 : i32
    %dma_wait3A_112 = tpu.memref_slice %arg5[%dma_wait3A, %dma_wait3A_111] : memref<2x128xi32, #tpu.memory_space<vmem>> -> memref<1x128xi32, #tpu.memory_space<vmem>>
    %dma_wait3A_113 = tpu.memref_squeeze %dma_wait3A_112 : memref<1x128xi32, #tpu.memory_space<vmem>> -> memref<128xi32, #tpu.memory_space<vmem>>
    %dma_wait3A_114 = tpu.memref_slice %arg3[%add3A_34] : memref<16384xi32, #tpu.memory_space<hbm>> -> memref<128xi32, #tpu.memory_space<hbm>>
    tpu.wait_dma2 semaphore(%arg10 : memref<!tpu.dma_semaphore, #tpu.memory_space<semaphore_mem>>) src(%dma_wait3A_114 : memref<128xi32, #tpu.memory_space<hbm>>) dst(%dma_wait3A_113 : memref<128xi32, #tpu.memory_space<vmem>>)
    %dma_wait3A_115 = arith.constant 1 : i32
    %dma_wait3A_116 = arith.constant 0 : i32
    %dma_wait3A_117 = tpu.memref_slice %arg5[%dma_wait3A_115, %dma_wait3A_116] : memref<2x128xi32, #tpu.memory_space<vmem>> -> memref<1x128xi32, #tpu.memory_space<vmem>>
    %dma_wait3A_118 = tpu.memref_squeeze %dma_wait3A_117 : memref<1x128xi32, #tpu.memory_space<vmem>> -> memref<128xi32, #tpu.memory_space<vmem>>
    %dma_wait3A_119 = tpu.memref_slice %arg3[%add3A_46] : memref<16384xi32, #tpu.memory_space<hbm>> -> memref<128xi32, #tpu.memory_space<hbm>>
    %dma_wait3A_120 = arith.constant 0 : i32
    %dma_wait3A_121 = tpu.memref_slice %arg5[%dma_wait3A_115, %dma_wait3A_120] : memref<2x128xi32, #tpu.memory_space<vmem>> -> memref<1x128xi32, #tpu.memory_space<vmem>>
    %dma_wait3A_122 = tpu.memref_squeeze %dma_wait3A_121 : memref<1x128xi32, #tpu.memory_space<vmem>> -> memref<128xi32, #tpu.memory_space<vmem>>
    %dma_wait3A_123 = tpu.memref_slice %arg3[%add3A_46] : memref<16384xi32, #tpu.memory_space<hbm>> -> memref<128xi32, #tpu.memory_space<hbm>>
    tpu.wait_dma2 semaphore(%arg10 : memref<!tpu.dma_semaphore, #tpu.memory_space<semaphore_mem>>) src(%dma_wait3A_123 : memref<128xi32, #tpu.memory_space<hbm>>) dst(%dma_wait3A_122 : memref<128xi32, #tpu.memory_space<vmem>>)
    %dma_start3A_124 = arith.constant 0 : i32
    %dma_start3A_125 = arith.constant 0 : i32
    %dma_start3A_126 = arith.constant 0 : i32
    %dma_start3A_127 = tpu.memref_slice %arg6[%dma_start3A_125, %dma_start3A_126] : memref<256x64xf32, #tpu.memory_space<vmem>> -> memref<128x64xf32, #tpu.memory_space<vmem>>
    %dma_start3A_128 = arith.constant 0 : i32
    %dma_start3A_129 = tpu.memref_slice %arg5[%dma_start3A_124, %dma_start3A_128] : memref<2x128xi32, #tpu.memory_space<vmem>> -> memref<1x128xi32, #tpu.memory_space<vmem>>
    %dma_start3A_130 = tpu.memref_squeeze %dma_start3A_129 : memref<1x128xi32, #tpu.memory_space<vmem>> -> memref<128xi32, #tpu.memory_space<vmem>>
    %dma_start3A_131 = arith.constant 0 : i32
    %dma_start3A_132 = arith.constant 0 : i32
    %dma_start3A_133 = tpu.memref_slice %arg2[%dma_start3A_131, %dma_start3A_132] : memref<1024x64xf32, #tpu.memory_space<hbm>> -> memref<1024x64xf32, #tpu.memory_space<hbm>>
    tpu.enqueue_indirect_dma source(%dma_start3A_133 : memref<1024x64xf32, #tpu.memory_space<hbm>>) target(%dma_start3A_127 : memref<128x64xf32, #tpu.memory_space<vmem>>) offsets(%dma_start3A_130 : memref<128xi32, #tpu.memory_space<vmem>>) semaphore(%arg11 : memref<!tpu.dma_semaphore, #tpu.memory_space<semaphore_mem>>)
    %dma_start3A_134 = arith.constant 1 : i32
    %dma_start3A_135 = arith.constant 128 : i32
    %dma_start3A_136 = arith.constant 0 : i32
    %dma_start3A_137 = tpu.memref_slice %arg6[%dma_start3A_135, %dma_start3A_136] : memref<256x64xf32, #tpu.memory_space<vmem>> -> memref<128x64xf32, #tpu.memory_space<vmem>>
    %dma_start3A_138 = arith.constant 0 : i32
    %dma_start3A_139 = tpu.memref_slice %arg5[%dma_start3A_134, %dma_start3A_138] : memref<2x128xi32, #tpu.memory_space<vmem>> -> memref<1x128xi32, #tpu.memory_space<vmem>>
    %dma_start3A_140 = tpu.memref_squeeze %dma_start3A_139 : memref<1x128xi32, #tpu.memory_space<vmem>> -> memref<128xi32, #tpu.memory_space<vmem>>
    %dma_start3A_141 = arith.constant 0 : i32
    %dma_start3A_142 = arith.constant 0 : i32
    %dma_start3A_143 = tpu.memref_slice %arg2[%dma_start3A_141, %dma_start3A_142] : memref<1024x64xf32, #tpu.memory_space<hbm>> -> memref<1024x64xf32, #tpu.memory_space<hbm>>
    tpu.enqueue_indirect_dma source(%dma_start3A_143 : memref<1024x64xf32, #tpu.memory_space<hbm>>) target(%dma_start3A_137 : memref<128x64xf32, #tpu.memory_space<vmem>>) offsets(%dma_start3A_140 : memref<128xi32, #tpu.memory_space<vmem>>) semaphore(%arg11 : memref<!tpu.dma_semaphore, #tpu.memory_space<semaphore_mem>>)
    %dma_wait3A_144 = arith.constant 0 : i32
    %dma_wait3A_145 = arith.constant 0 : i32
    %dma_wait3A_146 = arith.constant 0 : i32
    %dma_wait3A_147 = tpu.memref_slice %arg6[%dma_wait3A_145, %dma_wait3A_146] : memref<256x64xf32, #tpu.memory_space<vmem>> -> memref<128x64xf32, #tpu.memory_space<vmem>>
    %dma_wait3A_148 = arith.constant 0 : i32
    %dma_wait3A_149 = tpu.memref_slice %arg5[%dma_wait3A_144, %dma_wait3A_148] : memref<2x128xi32, #tpu.memory_space<vmem>> -> memref<1x128xi32, #tpu.memory_space<vmem>>
    %dma_wait3A_150 = tpu.memref_squeeze %dma_wait3A_149 : memref<1x128xi32, #tpu.memory_space<vmem>> -> memref<128xi32, #tpu.memory_space<vmem>>
    %dma_wait3A_151 = arith.constant 0 : i32
    %dma_wait3A_152 = arith.constant 0 : i32
    %dma_wait3A_153 = tpu.memref_slice %arg2[%dma_wait3A_151, %dma_wait3A_152] : memref<1024x64xf32, #tpu.memory_space<hbm>> -> memref<1024x64xf32, #tpu.memory_space<hbm>>
    tpu.wait_indirect_dma semaphore(%arg11 : memref<!tpu.dma_semaphore, #tpu.memory_space<semaphore_mem>>) src(%dma_wait3A_153 : memref<1024x64xf32, #tpu.memory_space<hbm>>) dst(%dma_wait3A_147 : memref<128x64xf32, #tpu.memory_space<vmem>>)
    %dma_wait3A_154 = arith.constant 1 : i32
    %dma_wait3A_155 = arith.constant 128 : i32
    %dma_wait3A_156 = arith.constant 0 : i32
    %dma_wait3A_157 = tpu.memref_slice %arg6[%dma_wait3A_155, %dma_wait3A_156] : memref<256x64xf32, #tpu.memory_space<vmem>> -> memref<128x64xf32, #tpu.memory_space<vmem>>
    %dma_wait3A_158 = arith.constant 0 : i32
    %dma_wait3A_159 = tpu.memref_slice %arg5[%dma_wait3A_154, %dma_wait3A_158] : memref<2x128xi32, #tpu.memory_space<vmem>> -> memref<1x128xi32, #tpu.memory_space<vmem>>
    %dma_wait3A_160 = tpu.memref_squeeze %dma_wait3A_159 : memref<1x128xi32, #tpu.memory_space<vmem>> -> memref<128xi32, #tpu.memory_space<vmem>>
    %dma_wait3A_161 = arith.constant 0 : i32
    %dma_wait3A_162 = arith.constant 0 : i32
    %dma_wait3A_163 = tpu.memref_slice %arg2[%dma_wait3A_161, %dma_wait3A_162] : memref<1024x64xf32, #tpu.memory_space<hbm>> -> memref<1024x64xf32, #tpu.memory_space<hbm>>
    tpu.wait_indirect_dma semaphore(%arg11 : memref<!tpu.dma_semaphore, #tpu.memory_space<semaphore_mem>>) src(%dma_wait3A_163 : memref<1024x64xf32, #tpu.memory_space<hbm>>) dst(%dma_wait3A_157 : memref<128x64xf32, #tpu.memory_space<vmem>>)
    %scan3A = arith.constant 0 : i32
    %scan3A_164 = arith.constant 0 : i32
    %scan3A_165 = arith.constant 256 : i32
    %scan3A_166 = arith.addi %scan3A_164, %scan3A_165 : i32
    %scan3A_167 = arith.constant 1 : i32
    scf.for %scan3A_175 = %scan3A_164 to %scan3A_166 step %scan3A_167  : i32 {
      %get3A = arith.index_cast %scan3A_175 : i32 to index
      %get3A_176 = arith.constant 0 : index
      %get3A_177 = tpu.vector_load %arg6[%get3A, %get3A_176] {strides = array<i32>} : memref<256x64xf32, #tpu.memory_space<vmem>>, vector<16xf32>,
      %mul3A_178 = arith.constant 65 : i32
      %mul3A_179 = arith.muli %scan3A_175, %mul3A_178 : i32
      %add3A_180 = arith.constant 0 : i32
      %add3A_181 = arith.addi %mul3A_179, %add3A_180 : i32
      %swap3A_182 = arith.index_cast %add3A_181 : i32 to index
      %swap3A_183 = tpu.vector_load %arg7[%swap3A_182] {strides = array<i32>} : memref<16640xf32, #tpu.memory_space<vmem>>, vector<16xf32>,
      tpu.vector_store %arg7[%swap3A_182], %get3A_177 {strides = array<i32>} : memref<16640xf32, #tpu.memory_space<vmem>>, vector<16xf32>,
      %get3A_184 = arith.index_cast %scan3A_175 : i32 to index
      %get3A_185 = arith.constant 16 : index
      %get3A_186 = tpu.vector_load %arg6[%get3A_184, %get3A_185] {strides = array<i32>} : memref<256x64xf32, #tpu.memory_space<vmem>>, vector<16xf32>,
      %mul3A_187 = arith.constant 65 : i32
      %mul3A_188 = arith.muli %scan3A_175, %mul3A_187 : i32
      %add3A_189 = arith.constant 16 : i32
      %add3A_190 = arith.addi %mul3A_188, %add3A_189 : i32
      %swap3A_191 = arith.index_cast %add3A_190 : i32 to index
      %swap3A_192 = tpu.vector_load %arg7[%swap3A_191] {strides = array<i32>} : memref<16640xf32, #tpu.memory_space<vmem>>, vector<16xf32>,
      tpu.vector_store %arg7[%swap3A_191], %get3A_186 {strides = array<i32>} : memref<16640xf32, #tpu.memory_space<vmem>>, vector<16xf32>,
      %get3A_193 = arith.index_cast %scan3A_175 : i32 to index
      %get3A_194 = arith.constant 32 : index
      %get3A_195 = tpu.vector_load %arg6[%get3A_193, %get3A_194] {strides = array<i32>} : memref<256x64xf32, #tpu.memory_space<vmem>>, vector<16xf32>,
      %mul3A_196 = arith.constant 65 : i32
      %mul3A_197 = arith.muli %scan3A_175, %mul3A_196 : i32
      %add3A_198 = arith.constant 32 : i32
      %add3A_199 = arith.addi %mul3A_197, %add3A_198 : i32
      %swap3A_200 = arith.index_cast %add3A_199 : i32 to index
      %swap3A_201 = tpu.vector_load %arg7[%swap3A_200] {strides = array<i32>} : memref<16640xf32, #tpu.memory_space<vmem>>, vector<16xf32>,
      tpu.vector_store %arg7[%swap3A_200], %get3A_195 {strides = array<i32>} : memref<16640xf32, #tpu.memory_space<vmem>>, vector<16xf32>,
      %get3A_202 = arith.index_cast %scan3A_175 : i32 to index
      %get3A_203 = arith.constant 48 : index
      %get3A_204 = tpu.vector_load %arg6[%get3A_202, %get3A_203] {strides = array<i32>} : memref<256x64xf32, #tpu.memory_space<vmem>>, vector<16xf32>,
      %mul3A_205 = arith.constant 65 : i32
      %mul3A_206 = arith.muli %scan3A_175, %mul3A_205 : i32
      %add3A_207 = arith.constant 48 : i32
      %add3A_208 = arith.addi %mul3A_206, %add3A_207 : i32
      %swap3A_209 = arith.index_cast %add3A_208 : i32 to index
      %swap3A_210 = tpu.vector_load %arg7[%swap3A_209] {strides = array<i32>} : memref<16640xf32, #tpu.memory_space<vmem>>, vector<16xf32>,
      tpu.vector_store %arg7[%swap3A_209], %get3A_204 {strides = array<i32>} : memref<16640xf32, #tpu.memory_space<vmem>>, vector<16xf32>,
    }
    %scan3A_168 = arith.constant 256 : i32
    %scan3A_169 = arith.constant 0 : i32
    %scan3A_170 = arith.constant 0 : i32
    %scan3A_171 = arith.constant 16 : i32
    %scan3A_172 = arith.addi %scan3A_170, %scan3A_171 : i32
    %scan3A_173 = arith.constant 1 : i32
    scf.for %scan3A_175 = %scan3A_170 to %scan3A_172 step %scan3A_173  : i32 {
      %mul3A_176 = arith.constant 16 : i32
      %mul3A_177 = arith.muli %scan3A_175, %mul3A_176 : i32
      %add3A_178 = vector.broadcast %mul3A_177 : i32 to vector<16xi32>
      %add3A_179 = arith.addi %add3A_178, %iota3A : vector<16xi32>
      %mul3A_180 = arith.constant 65 : i32
      %mul3A_181 = vector.broadcast %mul3A_180 : i32 to vector<16xi32>
      %mul3A_182 = arith.muli %add3A_179, %mul3A_181 : vector<16xi32>
      %add3A_183 = arith.constant 0 : i32
      %add3A_184 = vector.broadcast %add3A_183 : i32 to vector<16xi32>
      %add3A_185 = arith.addi %mul3A_182, %add3A_184 : vector<16xi32>
      %gather3A = tpu.vector_load_idx %arg7[%add3A_185] : memref<16640xf32, #tpu.memory_space<vmem>>[vector<16xi32>], vector<16xf32>,
      %mul3A_186 = arith.constant 16 : i32
      %mul3A_187 = arith.muli %scan3A_175, %mul3A_186 : i32
      %swap3A_188 = arith.constant 0 : i32
      %swap3A_189 = arith.index_cast %swap3A_188 : i32 to index
      %swap3A_190 = arith.index_cast %mul3A_187 : i32 to index
      %swap3A_191 = tpu.vector_load %arg8[%swap3A_189, %swap3A_190] {strides = array<i32>} : memref<64x256xf32, #tpu.memory_space<vmem>>, vector<16xf32>,
      tpu.vector_store %arg8[%swap3A_189, %swap3A_190], %gather3A {strides = array<i32>} : memref<64x256xf32, #tpu.memory_space<vmem>>, vector<16xf32>,
      %mul3A_192 = arith.constant 65 : i32
      %mul3A_193 = vector.broadcast %mul3A_192 : i32 to vector<16xi32>
      %mul3A_194 = arith.muli %add3A_179, %mul3A_193 : vector<16xi32>
      %add3A_195 = arith.constant 1 : i32
      %add3A_196 = vector.broadcast %add3A_195 : i32 to vector<16xi32>
      %add3A_197 = arith.addi %mul3A_194, %add3A_196 : vector<16xi32>
      %gather3A_198 = tpu.vector_load_idx %arg7[%add3A_197] : memref<16640xf32, #tpu.memory_space<vmem>>[vector<16xi32>], vector<16xf32>,
      %mul3A_199 = arith.constant 16 : i32
      %mul3A_200 = arith.muli %scan3A_175, %mul3A_199 : i32
      %swap3A_201 = arith.constant 1 : i32
      %swap3A_202 = arith.index_cast %swap3A_201 : i32 to index
      %swap3A_203 = arith.index_cast %mul3A_200 : i32 to index
      %swap3A_204 = tpu.vector_load %arg8[%swap3A_202, %swap3A_203] {strides = array<i32>} : memref<64x256xf32, #tpu.memory_space<vmem>>, vector<16xf32>,
      tpu.vector_store %arg8[%swap3A_202, %swap3A_203], %gather3A_198 {strides = array<i32>} : memref<64x256xf32, #tpu.memory_space<vmem>>, vector<16xf32>,
      %mul3A_205 = arith.constant 65 : i32
      %mul3A_206 = vector.broadcast %mul3A_205 : i32 to vector<16xi32>
      %mul3A_207 = arith.muli %add3A_179, %mul3A_206 : vector<16xi32>
      %add3A_208 = arith.constant 2 : i32
      %add3A_209 = vector.broadcast %add3A_208 : i32 to vector<16xi32>
      %add3A_210 = arith.addi %mul3A_207, %add3A_209 : vector<16xi32>
      %gather3A_211 = tpu.vector_load_idx %arg7[%add3A_210] : memref<16640xf32, #tpu.memory_space<vmem>>[vector<16xi32>], vector<16xf32>,
      %mul3A_212 = arith.constant 16 : i32
      %mul3A_213 = arith.muli %scan3A_175, %mul3A_212 : i32
      %swap3A_214 = arith.constant 2 : i32
      %swap3A_215 = arith.index_cast %swap3A_214 : i32 to index
      %swap3A_216 = arith.index_cast %mul3A_213 : i32 to index
      %swap3A_217 = tpu.vector_load %arg8[%swap3A_215, %swap3A_216] {strides = array<i32>} : memref<64x256xf32, #tpu.memory_space<vmem>>, vector<16xf32>,
      tpu.vector_store %arg8[%swap3A_215, %swap3A_216], %gather3A_211 {strides = array<i32>} : memref<64x256xf32, #tpu.memory_space<vmem>>, vector<16xf32>,
      %mul3A_218 = arith.constant 65 : i32
      %mul3A_219 = vector.broadcast %mul3A_218 : i32 to vector<16xi32>
      %mul3A_220 = arith.muli %add3A_179, %mul3A_219 : vector<16xi32>
      %add3A_221 = arith.constant 3 : i32
      %add3A_222 = vector.broadcast %add3A_221 : i32 to vector<16xi32>
      %add3A_223 = arith.addi %mul3A_220, %add3A_222 : vector<16xi32>
      %gather3A_224 = tpu.vector_load_idx %arg7[%add3A_223] : memref<16640xf32, #tpu.memory_space<vmem>>[vector<16xi32>], vector<16xf32>,
      %mul3A_225 = arith.constant 16 : i32
      %mul3A_226 = arith.muli %scan3A_175, %mul3A_225 : i32
      %swap3A_227 = arith.constant 3 : i32
      %swap3A_228 = arith.index_cast %swap3A_227 : i32 to index
      %swap3A_229 = arith.index_cast %mul3A_226 : i32 to index
      %swap3A_230 = tpu.vector_load %arg8[%swap3A_228, %swap3A_229] {strides = array<i32>} : memref<64x256xf32, #tpu.memory_space<vmem>>, vector<16xf32>,
      tpu.vector_store %arg8[%swap3A_228, %swap3A_229], %gather3A_224 {strides = array<i32>} : memref<64x256xf32, #tpu.memory_space<vmem>>, vector<16xf32>,
      %mul3A_231 = arith.constant 65 : i32
      %mul3A_232 = vector.broadcast %mul3A_231 : i32 to vector<16xi32>
      %mul3A_233 = arith.muli %add3A_179, %mul3A_232 : vector<16xi32>
      %add3A_234 = arith.constant 4 : i32
      %add3A_235 = vector.broadcast %add3A_234 : i32 to vector<16xi32>
      %add3A_236 = arith.addi %mul3A_233, %add3A_235 : vector<16xi32>
      %gather3A_237 = tpu.vector_load_idx %arg7[%add3A_236] : memref<16640xf32, #tpu.memory_space<vmem>>[vector<16xi32>], vector<16xf32>,
      %mul3A_238 = arith.constant 16 : i32
      %mul3A_239 = arith.muli %scan3A_175, %mul3A_238 : i32
      %swap3A_240 = arith.constant 4 : i32
      %swap3A_241 = arith.index_cast %swap3A_240 : i32 to index
      %swap3A_242 = arith.index_cast %mul3A_239 : i32 to index
      %swap3A_243 = tpu.vector_load %arg8[%swap3A_241, %swap3A_242] {strides = array<i32>} : memref<64x256xf32, #tpu.memory_space<vmem>>, vector<16xf32>,
      tpu.vector_store %arg8[%swap3A_241, %swap3A_242], %gather3A_237 {strides = array<i32>} : memref<64x256xf32, #tpu.memory_space<vmem>>, vector<16xf32>,
      %mul3A_244 = arith.constant 65 : i32
      %mul3A_245 = vector.broadcast %mul3A_244 : i32 to vector<16xi32>
      %mul3A_246 = arith.muli %add3A_179, %mul3A_245 : vector<16xi32>
      %add3A_247 = arith.constant 5 : i32
      %add3A_248 = vector.broadcast %add3A_247 : i32 to vector<16xi32>
      %add3A_249 = arith.addi %mul3A_246, %add3A_248 : vector<16xi32>
      %gather3A_250 = tpu.vector_load_idx %arg7[%add3A_249] : memref<16640xf32, #tpu.memory_space<vmem>>[vector<16xi32>], vector<16xf32>,
      %mul3A_251 = arith.constant 16 : i32
      %mul3A_252 = arith.muli %scan3A_175, %mul3A_251 : i32
      %swap3A_253 = arith.constant 5 : i32
      %swap3A_254 = arith.index_cast %swap3A_253 : i32 to index
      %swap3A_255 = arith.index_cast %mul3A_252 : i32 to index
      %swap3A_256 = tpu.vector_load %arg8[%swap3A_254, %swap3A_255] {strides = array<i32>} : memref<64x256xf32, #tpu.memory_space<vmem>>, vector<16xf32>,
      tpu.vector_store %arg8[%swap3A_254, %swap3A_255], %gather3A_250 {strides = array<i32>} : memref<64x256xf32, #tpu.memory_space<vmem>>, vector<16xf32>,
      %mul3A_257 = arith.constant 65 : i32
      %mul3A_258 = vector.broadcast %mul3A_257 : i32 to vector<16xi32>
      %mul3A_259 = arith.muli %add3A_179, %mul3A_258 : vector<16xi32>
      %add3A_260 = arith.constant 6 : i32
      %add3A_261 = vector.broadcast %add3A_260 : i32 to vector<16xi32>
      %add3A_262 = arith.addi %mul3A_259, %add3A_261 : vector<16xi32>
      %gather3A_263 = tpu.vector_load_idx %arg7[%add3A_262] : memref<16640xf32, #tpu.memory_space<vmem>>[vector<16xi32>], vector<16xf32>,
      %mul3A_264 = arith.constant 16 : i32
      %mul3A_265 = arith.muli %scan3A_175, %mul3A_264 : i32
      %swap3A_266 = arith.constant 6 : i32
      %swap3A_267 = arith.index_cast %swap3A_266 : i32 to index
      %swap3A_268 = arith.index_cast %mul3A_265 : i32 to index
      %swap3A_269 = tpu.vector_load %arg8[%swap3A_267, %swap3A_268] {strides = array<i32>} : memref<64x256xf32, #tpu.memory_space<vmem>>, vector<16xf32>,
      tpu.vector_store %arg8[%swap3A_267, %swap3A_268], %gather3A_263 {strides = array<i32>} : memref<64x256xf32, #tpu.memory_space<vmem>>, vector<16xf32>,
      %mul3A_270 = arith.constant 65 : i32
      %mul3A_271 = vector.broadcast %mul3A_270 : i32 to vector<16xi32>
      %mul3A_272 = arith.muli %add3A_179, %mul3A_271 : vector<16xi32>
      %add3A_273 = arith.constant 7 : i32
      %add3A_274 = vector.broadcast %add3A_273 : i32 to vector<16xi32>
      %add3A_275 = arith.addi %mul3A_272, %add3A_274 : vector<16xi32>
      %gather3A_276 = tpu.vector_load_idx %arg7[%add3A_275] : memref<16640xf32, #tpu.memory_space<vmem>>[vector<16xi32>], vector<16xf32>,
      %mul3A_277 = arith.constant 16 : i32
      %mul3A_278 = arith.muli %scan3A_175, %mul3A_277 : i32
      %swap3A_279 = arith.constant 7 : i32
      %swap3A_280 = arith.index_cast %swap3A_279 : i32 to index
      %swap3A_281 = arith.index_cast %mul3A_278 : i32 to index
      %swap3A_282 = tpu.vector_load %arg8[%swap3A_280, %swap3A_281] {strides = array<i32>} : memref<64x256xf32, #tpu.memory_space<vmem>>, vector<16xf32>,
      tpu.vector_store %arg8[%swap3A_280, %swap3A_281], %gather3A_276 {strides = array<i32>} : memref<64x256xf32, #tpu.memory_space<vmem>>, vector<16xf32>,
      %mul3A_283 = arith.constant 65 : i32
      %mul3A_284 = vector.broadcast %mul3A_283 : i32 to vector<16xi32>
      %mul3A_285 = arith.muli %add3A_179, %mul3A_284 : vector<16xi32>
      %add3A_286 = arith.constant 8 : i32
      %add3A_287 = vector.broadcast %add3A_286 : i32 to vector<16xi32>
      %add3A_288 = arith.addi %mul3A_285, %add3A_287 : vector<16xi32>
      %gather3A_289 = tpu.vector_load_idx %arg7[%add3A_288] : memref<16640xf32, #tpu.memory_space<vmem>>[vector<16xi32>], vector<16xf32>,
      %mul3A_290 = arith.constant 16 : i32
      %mul3A_291 = arith.muli %scan3A_175, %mul3A_290 : i32
      %swap3A_292 = arith.constant 8 : i32
      %swap3A_293 = arith.index_cast %swap3A_292 : i32 to index
      %swap3A_294 = arith.index_cast %mul3A_291 : i32 to index
      %swap3A_295 = tpu.vector_load %arg8[%swap3A_293, %swap3A_294] {strides = array<i32>} : memref<64x256xf32, #tpu.memory_space<vmem>>, vector<16xf32>,
      tpu.vector_store %arg8[%swap3A_293, %swap3A_294], %gather3A_289 {strides = array<i32>} : memref<64x256xf32, #tpu.memory_space<vmem>>, vector<16xf32>,
      %mul3A_296 = arith.constant 65 : i32
      %mul3A_297 = vector.broadcast %mul3A_296 : i32 to vector<16xi32>
      %mul3A_298 = arith.muli %add3A_179, %mul3A_297 : vector<16xi32>
      %add3A_299 = arith.constant 9 : i32
      %add3A_300 = vector.broadcast %add3A_299 : i32 to vector<16xi32>
      %add3A_301 = arith.addi %mul3A_298, %add3A_300 : vector<16xi32>
      %gather3A_302 = tpu.vector_load_idx %arg7[%add3A_301] : memref<16640xf32, #tpu.memory_space<vmem>>[vector<16xi32>], vector<16xf32>,
      %mul3A_303 = arith.constant 16 : i32
      %mul3A_304 = arith.muli %scan3A_175, %mul3A_303 : i32
      %swap3A_305 = arith.constant 9 : i32
      %swap3A_306 = arith.index_cast %swap3A_305 : i32 to index
      %swap3A_307 = arith.index_cast %mul3A_304 : i32 to index
      %swap3A_308 = tpu.vector_load %arg8[%swap3A_306, %swap3A_307] {strides = array<i32>} : memref<64x256xf32, #tpu.memory_space<vmem>>, vector<16xf32>,
      tpu.vector_store %arg8[%swap3A_306, %swap3A_307], %gather3A_302 {strides = array<i32>} : memref<64x256xf32, #tpu.memory_space<vmem>>, vector<16xf32>,
      %mul3A_309 = arith.constant 65 : i32
      %mul3A_310 = vector.broadcast %mul3A_309 : i32 to vector<16xi32>
      %mul3A_311 = arith.muli %add3A_179, %mul3A_310 : vector<16xi32>
      %add3A_312 = arith.constant 10 : i32
      %add3A_313 = vector.broadcast %add3A_312 : i32 to vector<16xi32>
      %add3A_314 = arith.addi %mul3A_311, %add3A_313 : vector<16xi32>
      %gather3A_315 = tpu.vector_load_idx %arg7[%add3A_314] : memref<16640xf32, #tpu.memory_space<vmem>>[vector<16xi32>], vector<16xf32>,
      %mul3A_316 = arith.constant 16 : i32
      %mul3A_317 = arith.muli %scan3A_175, %mul3A_316 : i32
      %swap3A_318 = arith.constant 10 : i32
      %swap3A_319 = arith.index_cast %swap3A_318 : i32 to index
      %swap3A_320 = arith.index_cast %mul3A_317 : i32 to index
      %swap3A_321 = tpu.vector_load %arg8[%swap3A_319, %swap3A_320] {strides = array<i32>} : memref<64x256xf32, #tpu.memory_space<vmem>>, vector<16xf32>,
      tpu.vector_store %arg8[%swap3A_319, %swap3A_320], %gather3A_315 {strides = array<i32>} : memref<64x256xf32, #tpu.memory_space<vmem>>, vector<16xf32>,
      %mul3A_322 = arith.constant 65 : i32
      %mul3A_323 = vector.broadcast %mul3A_322 : i32 to vector<16xi32>
      %mul3A_324 = arith.muli %add3A_179, %mul3A_323 : vector<16xi32>
      %add3A_325 = arith.constant 11 : i32
      %add3A_326 = vector.broadcast %add3A_325 : i32 to vector<16xi32>
      %add3A_327 = arith.addi %mul3A_324, %add3A_326 : vector<16xi32>
      %gather3A_328 = tpu.vector_load_idx %arg7[%add3A_327] : memref<16640xf32, #tpu.memory_space<vmem>>[vector<16xi32>], vector<16xf32>,
      %mul3A_329 = arith.constant 16 : i32
      %mul3A_330 = arith.muli %scan3A_175, %mul3A_329 : i32
      %swap3A_331 = arith.constant 11 : i32
      %swap3A_332 = arith.index_cast %swap3A_331 : i32 to index
      %swap3A_333 = arith.index_cast %mul3A_330 : i32 to index
      %swap3A_334 = tpu.vector_load %arg8[%swap3A_332, %swap3A_333] {strides = array<i32>} : memref<64x256xf32, #tpu.memory_space<vmem>>, vector<16xf32>,
      tpu.vector_store %arg8[%swap3A_332, %swap3A_333], %gather3A_328 {strides = array<i32>} : memref<64x256xf32, #tpu.memory_space<vmem>>, vector<16xf32>,
      %mul3A_335 = arith.constant 65 : i32
      %mul3A_336 = vector.broadcast %mul3A_335 : i32 to vector<16xi32>
      %mul3A_337 = arith.muli %add3A_179, %mul3A_336 : vector<16xi32>
      %add3A_338 = arith.constant 12 : i32
      %add3A_339 = vector.broadcast %add3A_338 : i32 to vector<16xi32>
      %add3A_340 = arith.addi %mul3A_337, %add3A_339 : vector<16xi32>
      %gather3A_341 = tpu.vector_load_idx %arg7[%add3A_340] : memref<16640xf32, #tpu.memory_space<vmem>>[vector<16xi32>], vector<16xf32>,
      %mul3A_342 = arith.constant 16 : i32
      %mul3A_343 = arith.muli %scan3A_175, %mul3A_342 : i32
      %swap3A_344 = arith.constant 12 : i32
      %swap3A_345 = arith.index_cast %swap3A_344 : i32 to index
      %swap3A_346 = arith.index_cast %mul3A_343 : i32 to index
      %swap3A_347 = tpu.vector_load %arg8[%swap3A_345, %swap3A_346] {strides = array<i32>} : memref<64x256xf32, #tpu.memory_space<vmem>>, vector<16xf32>,
      tpu.vector_store %arg8[%swap3A_345, %swap3A_346], %gather3A_341 {strides = array<i32>} : memref<64x256xf32, #tpu.memory_space<vmem>>, vector<16xf32>,
      %mul3A_348 = arith.constant 65 : i32
      %mul3A_349 = vector.broadcast %mul3A_348 : i32 to vector<16xi32>
      %mul3A_350 = arith.muli %add3A_179, %mul3A_349 : vector<16xi32>
      %add3A_351 = arith.constant 13 : i32
      %add3A_352 = vector.broadcast %add3A_351 : i32 to vector<16xi32>
      %add3A_353 = arith.addi %mul3A_350, %add3A_352 : vector<16xi32>
      %gather3A_354 = tpu.vector_load_idx %arg7[%add3A_353] : memref<16640xf32, #tpu.memory_space<vmem>>[vector<16xi32>], vector<16xf32>,
      %mul3A_355 = arith.constant 16 : i32
      %mul3A_356 = arith.muli %scan3A_175, %mul3A_355 : i32
      %swap3A_357 = arith.constant 13 : i32
      %swap3A_358 = arith.index_cast %swap3A_357 : i32 to index
      %swap3A_359 = arith.index_cast %mul3A_356 : i32 to index
      %swap3A_360 = tpu.vector_load %arg8[%swap3A_358, %swap3A_359] {strides = array<i32>} : memref<64x256xf32, #tpu.memory_space<vmem>>, vector<16xf32>,
      tpu.vector_store %arg8[%swap3A_358, %swap3A_359], %gather3A_354 {strides = array<i32>} : memref<64x256xf32, #tpu.memory_space<vmem>>, vector<16xf32>,
      %mul3A_361 = arith.constant 65 : i32
      %mul3A_362 = vector.broadcast %mul3A_361 : i32 to vector<16xi32>
      %mul3A_363 = arith.muli %add3A_179, %mul3A_362 : vector<16xi32>
      %add3A_364 = arith.constant 14 : i32
      %add3A_365 = vector.broadcast %add3A_364 : i32 to vector<16xi32>
      %add3A_366 = arith.addi %mul3A_363, %add3A_365 : vector<16xi32>
      %gather3A_367 = tpu.vector_load_idx %arg7[%add3A_366] : memref<16640xf32, #tpu.memory_space<vmem>>[vector<16xi32>], vector<16xf32>,
      %mul3A_368 = arith.constant 16 : i32
      %mul3A_369 = arith.muli %scan3A_175, %mul3A_368 : i32
      %swap3A_370 = arith.constant 14 : i32
      %swap3A_371 = arith.index_cast %swap3A_370 : i32 to index
      %swap3A_372 = arith.index_cast %mul3A_369 : i32 to index
      %swap3A_373 = tpu.vector_load %arg8[%swap3A_371, %swap3A_372] {strides = array<i32>} : memref<64x256xf32, #tpu.memory_space<vmem>>, vector<16xf32>,
      tpu.vector_store %arg8[%swap3A_371, %swap3A_372], %gather3A_367 {strides = array<i32>} : memref<64x256xf32, #tpu.memory_space<vmem>>, vector<16xf32>,
      %mul3A_374 = arith.constant 65 : i32
      %mul3A_375 = vector.broadcast %mul3A_374 : i32 to vector<16xi32>
      %mul3A_376 = arith.muli %add3A_179, %mul3A_375 : vector<16xi32>
      %add3A_377 = arith.constant 15 : i32
      %add3A_378 = vector.broadcast %add3A_377 : i32 to vector<16xi32>
      %add3A_379 = arith.addi %mul3A_376, %add3A_378 : vector<16xi32>
      %gather3A_380 = tpu.vector_load_idx %arg7[%add3A_379] : memref<16640xf32, #tpu.memory_space<vmem>>[vector<16xi32>], vector<16xf32>,
      %mul3A_381 = arith.constant 16 : i32
      %mul3A_382 = arith.muli %scan3A_175, %mul3A_381 : i32
      %swap3A_383 = arith.constant 15 : i32
      %swap3A_384 = arith.index_cast %swap3A_383 : i32 to index
      %swap3A_385 = arith.index_cast %mul3A_382 : i32 to index
      %swap3A_386 = tpu.vector_load %arg8[%swap3A_384, %swap3A_385] {strides = array<i32>} : memref<64x256xf32, #tpu.memory_space<vmem>>, vector<16xf32>,
      tpu.vector_store %arg8[%swap3A_384, %swap3A_385], %gather3A_380 {strides = array<i32>} : memref<64x256xf32, #tpu.memory_space<vmem>>, vector<16xf32>,
      %mul3A_387 = arith.constant 65 : i32
      %mul3A_388 = vector.broadcast %mul3A_387 : i32 to vector<16xi32>
      %mul3A_389 = arith.muli %add3A_179, %mul3A_388 : vector<16xi32>
      %add3A_390 = arith.constant 16 : i32
      %add3A_391 = vector.broadcast %add3A_390 : i32 to vector<16xi32>
      %add3A_392 = arith.addi %mul3A_389, %add3A_391 : vector<16xi32>
      %gather3A_393 = tpu.vector_load_idx %arg7[%add3A_392] : memref<16640xf32, #tpu.memory_space<vmem>>[vector<16xi32>], vector<16xf32>,
      %mul3A_394 = arith.constant 16 : i32
      %mul3A_395 = arith.muli %scan3A_175, %mul3A_394 : i32
      %swap3A_396 = arith.constant 16 : i32
      %swap3A_397 = arith.index_cast %swap3A_396 : i32 to index
      %swap3A_398 = arith.index_cast %mul3A_395 : i32 to index
      %swap3A_399 = tpu.vector_load %arg8[%swap3A_397, %swap3A_398] {strides = array<i32>} : memref<64x256xf32, #tpu.memory_space<vmem>>, vector<16xf32>,
      tpu.vector_store %arg8[%swap3A_397, %swap3A_398], %gather3A_393 {strides = array<i32>} : memref<64x256xf32, #tpu.memory_space<vmem>>, vector<16xf32>,
      %mul3A_400 = arith.constant 65 : i32
      %mul3A_401 = vector.broadcast %mul3A_400 : i32 to vector<16xi32>
      %mul3A_402 = arith.muli %add3A_179, %mul3A_401 : vector<16xi32>
      %add3A_403 = arith.constant 17 : i32
      %add3A_404 = vector.broadcast %add3A_403 : i32 to vector<16xi32>
      %add3A_405 = arith.addi %mul3A_402, %add3A_404 : vector<16xi32>
      %gather3A_406 = tpu.vector_load_idx %arg7[%add3A_405] : memref<16640xf32, #tpu.memory_space<vmem>>[vector<16xi32>], vector<16xf32>,
      %mul3A_407 = arith.constant 16 : i32
      %mul3A_408 = arith.muli %scan3A_175, %mul3A_407 : i32
      %swap3A_409 = arith.constant 17 : i32
      %swap3A_410 = arith.index_cast %swap3A_409 : i32 to index
      %swap3A_411 = arith.index_cast %mul3A_408 : i32 to index
      %swap3A_412 = tpu.vector_load %arg8[%swap3A_410, %swap3A_411] {strides = array<i32>} : memref<64x256xf32, #tpu.memory_space<vmem>>, vector<16xf32>,
      tpu.vector_store %arg8[%swap3A_410, %swap3A_411], %gather3A_406 {strides = array<i32>} : memref<64x256xf32, #tpu.memory_space<vmem>>, vector<16xf32>,
      %mul3A_413 = arith.constant 65 : i32
      %mul3A_414 = vector.broadcast %mul3A_413 : i32 to vector<16xi32>
      %mul3A_415 = arith.muli %add3A_179, %mul3A_414 : vector<16xi32>
      %add3A_416 = arith.constant 18 : i32
      %add3A_417 = vector.broadcast %add3A_416 : i32 to vector<16xi32>
      %add3A_418 = arith.addi %mul3A_415, %add3A_417 : vector<16xi32>
      %gather3A_419 = tpu.vector_load_idx %arg7[%add3A_418] : memref<16640xf32, #tpu.memory_space<vmem>>[vector<16xi32>], vector<16xf32>,
      %mul3A_420 = arith.constant 16 : i32
      %mul3A_421 = arith.muli %scan3A_175, %mul3A_420 : i32
      %swap3A_422 = arith.constant 18 : i32
      %swap3A_423 = arith.index_cast %swap3A_422 : i32 to index
      %swap3A_424 = arith.index_cast %mul3A_421 : i32 to index
      %swap3A_425 = tpu.vector_load %arg8[%swap3A_423, %swap3A_424] {strides = array<i32>} : memref<64x256xf32, #tpu.memory_space<vmem>>, vector<16xf32>,
      tpu.vector_store %arg8[%swap3A_423, %swap3A_424], %gather3A_419 {strides = array<i32>} : memref<64x256xf32, #tpu.memory_space<vmem>>, vector<16xf32>,
      %mul3A_426 = arith.constant 65 : i32
      %mul3A_427 = vector.broadcast %mul3A_426 : i32 to vector<16xi32>
      %mul3A_428 = arith.muli %add3A_179, %mul3A_427 : vector<16xi32>
      %add3A_429 = arith.constant 19 : i32
      %add3A_430 = vector.broadcast %add3A_429 : i32 to vector<16xi32>
      %add3A_431 = arith.addi %mul3A_428, %add3A_430 : vector<16xi32>
      %gather3A_432 = tpu.vector_load_idx %arg7[%add3A_431] : memref<16640xf32, #tpu.memory_space<vmem>>[vector<16xi32>], vector<16xf32>,
      %mul3A_433 = arith.constant 16 : i32
      %mul3A_434 = arith.muli %scan3A_175, %mul3A_433 : i32
      %swap3A_435 = arith.constant 19 : i32
      %swap3A_436 = arith.index_cast %swap3A_435 : i32 to index
      %swap3A_437 = arith.index_cast %mul3A_434 : i32 to index
      %swap3A_438 = tpu.vector_load %arg8[%swap3A_436, %swap3A_437] {strides = array<i32>} : memref<64x256xf32, #tpu.memory_space<vmem>>, vector<16xf32>,
      tpu.vector_store %arg8[%swap3A_436, %swap3A_437], %gather3A_432 {strides = array<i32>} : memref<64x256xf32, #tpu.memory_space<vmem>>, vector<16xf32>,
      %mul3A_439 = arith.constant 65 : i32
      %mul3A_440 = vector.broadcast %mul3A_439 : i32 to vector<16xi32>
      %mul3A_441 = arith.muli %add3A_179, %mul3A_440 : vector<16xi32>
      %add3A_442 = arith.constant 20 : i32
      %add3A_443 = vector.broadcast %add3A_442 : i32 to vector<16xi32>
      %add3A_444 = arith.addi %mul3A_441, %add3A_443 : vector<16xi32>
      %gather3A_445 = tpu.vector_load_idx %arg7[%add3A_444] : memref<16640xf32, #tpu.memory_space<vmem>>[vector<16xi32>], vector<16xf32>,
      %mul3A_446 = arith.constant 16 : i32
      %mul3A_447 = arith.muli %scan3A_175, %mul3A_446 : i32
      %swap3A_448 = arith.constant 20 : i32
      %swap3A_449 = arith.index_cast %swap3A_448 : i32 to index
      %swap3A_450 = arith.index_cast %mul3A_447 : i32 to index
      %swap3A_451 = tpu.vector_load %arg8[%swap3A_449, %swap3A_450] {strides = array<i32>} : memref<64x256xf32, #tpu.memory_space<vmem>>, vector<16xf32>,
      tpu.vector_store %arg8[%swap3A_449, %swap3A_450], %gather3A_445 {strides = array<i32>} : memref<64x256xf32, #tpu.memory_space<vmem>>, vector<16xf32>,
      %mul3A_452 = arith.constant 65 : i32
      %mul3A_453 = vector.broadcast %mul3A_452 : i32 to vector<16xi32>
      %mul3A_454 = arith.muli %add3A_179, %mul3A_453 : vector<16xi32>
      %add3A_455 = arith.constant 21 : i32
      %add3A_456 = vector.broadcast %add3A_455 : i32 to vector<16xi32>
      %add3A_457 = arith.addi %mul3A_454, %add3A_456 : vector<16xi32>
      %gather3A_458 = tpu.vector_load_idx %arg7[%add3A_457] : memref<16640xf32, #tpu.memory_space<vmem>>[vector<16xi32>], vector<16xf32>,
      %mul3A_459 = arith.constant 16 : i32
      %mul3A_460 = arith.muli %scan3A_175, %mul3A_459 : i32
      %swap3A_461 = arith.constant 21 : i32
      %swap3A_462 = arith.index_cast %swap3A_461 : i32 to index
      %swap3A_463 = arith.index_cast %mul3A_460 : i32 to index
      %swap3A_464 = tpu.vector_load %arg8[%swap3A_462, %swap3A_463] {strides = array<i32>} : memref<64x256xf32, #tpu.memory_space<vmem>>, vector<16xf32>,
      tpu.vector_store %arg8[%swap3A_462, %swap3A_463], %gather3A_458 {strides = array<i32>} : memref<64x256xf32, #tpu.memory_space<vmem>>, vector<16xf32>,
      %mul3A_465 = arith.constant 65 : i32
      %mul3A_466 = vector.broadcast %mul3A_465 : i32 to vector<16xi32>
      %mul3A_467 = arith.muli %add3A_179, %mul3A_466 : vector<16xi32>
      %add3A_468 = arith.constant 22 : i32
      %add3A_469 = vector.broadcast %add3A_468 : i32 to vector<16xi32>
      %add3A_470 = arith.addi %mul3A_467, %add3A_469 : vector<16xi32>
      %gather3A_471 = tpu.vector_load_idx %arg7[%add3A_470] : memref<16640xf32, #tpu.memory_space<vmem>>[vector<16xi32>], vector<16xf32>,
      %mul3A_472 = arith.constant 16 : i32
      %mul3A_473 = arith.muli %scan3A_175, %mul3A_472 : i32
      %swap3A_474 = arith.constant 22 : i32
      %swap3A_475 = arith.index_cast %swap3A_474 : i32 to index
      %swap3A_476 = arith.index_cast %mul3A_473 : i32 to index
      %swap3A_477 = tpu.vector_load %arg8[%swap3A_475, %swap3A_476] {strides = array<i32>} : memref<64x256xf32, #tpu.memory_space<vmem>>, vector<16xf32>,
      tpu.vector_store %arg8[%swap3A_475, %swap3A_476], %gather3A_471 {strides = array<i32>} : memref<64x256xf32, #tpu.memory_space<vmem>>, vector<16xf32>,
      %mul3A_478 = arith.constant 65 : i32
      %mul3A_479 = vector.broadcast %mul3A_478 : i32 to vector<16xi32>
      %mul3A_480 = arith.muli %add3A_179, %mul3A_479 : vector<16xi32>
      %add3A_481 = arith.constant 23 : i32
      %add3A_482 = vector.broadcast %add3A_481 : i32 to vector<16xi32>
      %add3A_483 = arith.addi %mul3A_480, %add3A_482 : vector<16xi32>
      %gather3A_484 = tpu.vector_load_idx %arg7[%add3A_483] : memref<16640xf32, #tpu.memory_space<vmem>>[vector<16xi32>], vector<16xf32>,
      %mul3A_485 = arith.constant 16 : i32
      %mul3A_486 = arith.muli %scan3A_175, %mul3A_485 : i32
      %swap3A_487 = arith.constant 23 : i32
      %swap3A_488 = arith.index_cast %swap3A_487 : i32 to index
      %swap3A_489 = arith.index_cast %mul3A_486 : i32 to index
      %swap3A_490 = tpu.vector_load %arg8[%swap3A_488, %swap3A_489] {strides = array<i32>} : memref<64x256xf32, #tpu.memory_space<vmem>>, vector<16xf32>,
      tpu.vector_store %arg8[%swap3A_488, %swap3A_489], %gather3A_484 {strides = array<i32>} : memref<64x256xf32, #tpu.memory_space<vmem>>, vector<16xf32>,
      %mul3A_491 = arith.constant 65 : i32
      %mul3A_492 = vector.broadcast %mul3A_491 : i32 to vector<16xi32>
      %mul3A_493 = arith.muli %add3A_179, %mul3A_492 : vector<16xi32>
      %add3A_494 = arith.constant 24 : i32
      %add3A_495 = vector.broadcast %add3A_494 : i32 to vector<16xi32>
      %add3A_496 = arith.addi %mul3A_493, %add3A_495 : vector<16xi32>
      %gather3A_497 = tpu.vector_load_idx %arg7[%add3A_496] : memref<16640xf32, #tpu.memory_space<vmem>>[vector<16xi32>], vector<16xf32>,
      %mul3A_498 = arith.constant 16 : i32
      %mul3A_499 = arith.muli %scan3A_175, %mul3A_498 : i32
      %swap3A_500 = arith.constant 24 : i32
      %swap3A_501 = arith.index_cast %swap3A_500 : i32 to index
      %swap3A_502 = arith.index_cast %mul3A_499 : i32 to index
      %swap3A_503 = tpu.vector_load %arg8[%swap3A_501, %swap3A_502] {strides = array<i32>} : memref<64x256xf32, #tpu.memory_space<vmem>>, vector<16xf32>,
      tpu.vector_store %arg8[%swap3A_501, %swap3A_502], %gather3A_497 {strides = array<i32>} : memref<64x256xf32, #tpu.memory_space<vmem>>, vector<16xf32>,
      %mul3A_504 = arith.constant 65 : i32
      %mul3A_505 = vector.broadcast %mul3A_504 : i32 to vector<16xi32>
      %mul3A_506 = arith.muli %add3A_179, %mul3A_505 : vector<16xi32>
      %add3A_507 = arith.constant 25 : i32
      %add3A_508 = vector.broadcast %add3A_507 : i32 to vector<16xi32>
      %add3A_509 = arith.addi %mul3A_506, %add3A_508 : vector<16xi32>
      %gather3A_510 = tpu.vector_load_idx %arg7[%add3A_509] : memref<16640xf32, #tpu.memory_space<vmem>>[vector<16xi32>], vector<16xf32>,
      %mul3A_511 = arith.constant 16 : i32
      %mul3A_512 = arith.muli %scan3A_175, %mul3A_511 : i32
      %swap3A_513 = arith.constant 25 : i32
      %swap3A_514 = arith.index_cast %swap3A_513 : i32 to index
      %swap3A_515 = arith.index_cast %mul3A_512 : i32 to index
      %swap3A_516 = tpu.vector_load %arg8[%swap3A_514, %swap3A_515] {strides = array<i32>} : memref<64x256xf32, #tpu.memory_space<vmem>>, vector<16xf32>,
      tpu.vector_store %arg8[%swap3A_514, %swap3A_515], %gather3A_510 {strides = array<i32>} : memref<64x256xf32, #tpu.memory_space<vmem>>, vector<16xf32>,
      %mul3A_517 = arith.constant 65 : i32
      %mul3A_518 = vector.broadcast %mul3A_517 : i32 to vector<16xi32>
      %mul3A_519 = arith.muli %add3A_179, %mul3A_518 : vector<16xi32>
      %add3A_520 = arith.constant 26 : i32
      %add3A_521 = vector.broadcast %add3A_520 : i32 to vector<16xi32>
      %add3A_522 = arith.addi %mul3A_519, %add3A_521 : vector<16xi32>
      %gather3A_523 = tpu.vector_load_idx %arg7[%add3A_522] : memref<16640xf32, #tpu.memory_space<vmem>>[vector<16xi32>], vector<16xf32>,
      %mul3A_524 = arith.constant 16 : i32
      %mul3A_525 = arith.muli %scan3A_175, %mul3A_524 : i32
      %swap3A_526 = arith.constant 26 : i32
      %swap3A_527 = arith.index_cast %swap3A_526 : i32 to index
      %swap3A_528 = arith.index_cast %mul3A_525 : i32 to index
      %swap3A_529 = tpu.vector_load %arg8[%swap3A_527, %swap3A_528] {strides = array<i32>} : memref<64x256xf32, #tpu.memory_space<vmem>>, vector<16xf32>,
      tpu.vector_store %arg8[%swap3A_527, %swap3A_528], %gather3A_523 {strides = array<i32>} : memref<64x256xf32, #tpu.memory_space<vmem>>, vector<16xf32>,
      %mul3A_530 = arith.constant 65 : i32
      %mul3A_531 = vector.broadcast %mul3A_530 : i32 to vector<16xi32>
      %mul3A_532 = arith.muli %add3A_179, %mul3A_531 : vector<16xi32>
      %add3A_533 = arith.constant 27 : i32
      %add3A_534 = vector.broadcast %add3A_533 : i32 to vector<16xi32>
      %add3A_535 = arith.addi %mul3A_532, %add3A_534 : vector<16xi32>
      %gather3A_536 = tpu.vector_load_idx %arg7[%add3A_535] : memref<16640xf32, #tpu.memory_space<vmem>>[vector<16xi32>], vector<16xf32>,
      %mul3A_537 = arith.constant 16 : i32
      %mul3A_538 = arith.muli %scan3A_175, %mul3A_537 : i32
      %swap3A_539 = arith.constant 27 : i32
      %swap3A_540 = arith.index_cast %swap3A_539 : i32 to index
      %swap3A_541 = arith.index_cast %mul3A_538 : i32 to index
      %swap3A_542 = tpu.vector_load %arg8[%swap3A_540, %swap3A_541] {strides = array<i32>} : memref<64x256xf32, #tpu.memory_space<vmem>>, vector<16xf32>,
      tpu.vector_store %arg8[%swap3A_540, %swap3A_541], %gather3A_536 {strides = array<i32>} : memref<64x256xf32, #tpu.memory_space<vmem>>, vector<16xf32>,
      %mul3A_543 = arith.constant 65 : i32
      %mul3A_544 = vector.broadcast %mul3A_543 : i32 to vector<16xi32>
      %mul3A_545 = arith.muli %add3A_179, %mul3A_544 : vector<16xi32>
      %add3A_546 = arith.constant 28 : i32
      %add3A_547 = vector.broadcast %add3A_546 : i32 to vector<16xi32>
      %add3A_548 = arith.addi %mul3A_545, %add3A_547 : vector<16xi32>
      %gather3A_549 = tpu.vector_load_idx %arg7[%add3A_548] : memref<16640xf32, #tpu.memory_space<vmem>>[vector<16xi32>], vector<16xf32>,
      %mul3A_550 = arith.constant 16 : i32
      %mul3A_551 = arith.muli %scan3A_175, %mul3A_550 : i32
      %swap3A_552 = arith.constant 28 : i32
      %swap3A_553 = arith.index_cast %swap3A_552 : i32 to index
      %swap3A_554 = arith.index_cast %mul3A_551 : i32 to index
      %swap3A_555 = tpu.vector_load %arg8[%swap3A_553, %swap3A_554] {strides = array<i32>} : memref<64x256xf32, #tpu.memory_space<vmem>>, vector<16xf32>,
      tpu.vector_store %arg8[%swap3A_553, %swap3A_554], %gather3A_549 {strides = array<i32>} : memref<64x256xf32, #tpu.memory_space<vmem>>, vector<16xf32>,
      %mul3A_556 = arith.constant 65 : i32
      %mul3A_557 = vector.broadcast %mul3A_556 : i32 to vector<16xi32>
      %mul3A_558 = arith.muli %add3A_179, %mul3A_557 : vector<16xi32>
      %add3A_559 = arith.constant 29 : i32
      %add3A_560 = vector.broadcast %add3A_559 : i32 to vector<16xi32>
      %add3A_561 = arith.addi %mul3A_558, %add3A_560 : vector<16xi32>
      %gather3A_562 = tpu.vector_load_idx %arg7[%add3A_561] : memref<16640xf32, #tpu.memory_space<vmem>>[vector<16xi32>], vector<16xf32>,
      %mul3A_563 = arith.constant 16 : i32
      %mul3A_564 = arith.muli %scan3A_175, %mul3A_563 : i32
      %swap3A_565 = arith.constant 29 : i32
      %swap3A_566 = arith.index_cast %swap3A_565 : i32 to index
      %swap3A_567 = arith.index_cast %mul3A_564 : i32 to index
      %swap3A_568 = tpu.vector_load %arg8[%swap3A_566, %swap3A_567] {strides = array<i32>} : memref<64x256xf32, #tpu.memory_space<vmem>>, vector<16xf32>,
      tpu.vector_store %arg8[%swap3A_566, %swap3A_567], %gather3A_562 {strides = array<i32>} : memref<64x256xf32, #tpu.memory_space<vmem>>, vector<16xf32>,
      %mul3A_569 = arith.constant 65 : i32
      %mul3A_570 = vector.broadcast %mul3A_569 : i32 to vector<16xi32>
      %mul3A_571 = arith.muli %add3A_179, %mul3A_570 : vector<16xi32>
      %add3A_572 = arith.constant 30 : i32
      %add3A_573 = vector.broadcast %add3A_572 : i32 to vector<16xi32>
      %add3A_574 = arith.addi %mul3A_571, %add3A_573 : vector<16xi32>
      %gather3A_575 = tpu.vector_load_idx %arg7[%add3A_574] : memref<16640xf32, #tpu.memory_space<vmem>>[vector<16xi32>], vector<16xf32>,
      %mul3A_576 = arith.constant 16 : i32
      %mul3A_577 = arith.muli %scan3A_175, %mul3A_576 : i32
      %swap3A_578 = arith.constant 30 : i32
      %swap3A_579 = arith.index_cast %swap3A_578 : i32 to index
      %swap3A_580 = arith.index_cast %mul3A_577 : i32 to index
      %swap3A_581 = tpu.vector_load %arg8[%swap3A_579, %swap3A_580] {strides = array<i32>} : memref<64x256xf32, #tpu.memory_space<vmem>>, vector<16xf32>,
      tpu.vector_store %arg8[%swap3A_579, %swap3A_580], %gather3A_575 {strides = array<i32>} : memref<64x256xf32, #tpu.memory_space<vmem>>, vector<16xf32>,
      %mul3A_582 = arith.constant 65 : i32
      %mul3A_583 = vector.broadcast %mul3A_582 : i32 to vector<16xi32>
      %mul3A_584 = arith.muli %add3A_179, %mul3A_583 : vector<16xi32>
      %add3A_585 = arith.constant 31 : i32
      %add3A_586 = vector.broadcast %add3A_585 : i32 to vector<16xi32>
      %add3A_587 = arith.addi %mul3A_584, %add3A_586 : vector<16xi32>
      %gather3A_588 = tpu.vector_load_idx %arg7[%add3A_587] : memref<16640xf32, #tpu.memory_space<vmem>>[vector<16xi32>], vector<16xf32>,
      %mul3A_589 = arith.constant 16 : i32
      %mul3A_590 = arith.muli %scan3A_175, %mul3A_589 : i32
      %swap3A_591 = arith.constant 31 : i32
      %swap3A_592 = arith.index_cast %swap3A_591 : i32 to index
      %swap3A_593 = arith.index_cast %mul3A_590 : i32 to index
      %swap3A_594 = tpu.vector_load %arg8[%swap3A_592, %swap3A_593] {strides = array<i32>} : memref<64x256xf32, #tpu.memory_space<vmem>>, vector<16xf32>,
      tpu.vector_store %arg8[%swap3A_592, %swap3A_593], %gather3A_588 {strides = array<i32>} : memref<64x256xf32, #tpu.memory_space<vmem>>, vector<16xf32>,
      %mul3A_595 = arith.constant 65 : i32
      %mul3A_596 = vector.broadcast %mul3A_595 : i32 to vector<16xi32>
      %mul3A_597 = arith.muli %add3A_179, %mul3A_596 : vector<16xi32>
      %add3A_598 = arith.constant 32 : i32
      %add3A_599 = vector.broadcast %add3A_598 : i32 to vector<16xi32>
      %add3A_600 = arith.addi %mul3A_597, %add3A_599 : vector<16xi32>
      %gather3A_601 = tpu.vector_load_idx %arg7[%add3A_600] : memref<16640xf32, #tpu.memory_space<vmem>>[vector<16xi32>], vector<16xf32>,
      %mul3A_602 = arith.constant 16 : i32
      %mul3A_603 = arith.muli %scan3A_175, %mul3A_602 : i32
      %swap3A_604 = arith.constant 32 : i32
      %swap3A_605 = arith.index_cast %swap3A_604 : i32 to index
      %swap3A_606 = arith.index_cast %mul3A_603 : i32 to index
      %swap3A_607 = tpu.vector_load %arg8[%swap3A_605, %swap3A_606] {strides = array<i32>} : memref<64x256xf32, #tpu.memory_space<vmem>>, vector<16xf32>,
      tpu.vector_store %arg8[%swap3A_605, %swap3A_606], %gather3A_601 {strides = array<i32>} : memref<64x256xf32, #tpu.memory_space<vmem>>, vector<16xf32>,
      %mul3A_608 = arith.constant 65 : i32
      %mul3A_609 = vector.broadcast %mul3A_608 : i32 to vector<16xi32>
      %mul3A_610 = arith.muli %add3A_179, %mul3A_609 : vector<16xi32>
      %add3A_611 = arith.constant 33 : i32
      %add3A_612 = vector.broadcast %add3A_611 : i32 to vector<16xi32>
      %add3A_613 = arith.addi %mul3A_610, %add3A_612 : vector<16xi32>
      %gather3A_614 = tpu.vector_load_idx %arg7[%add3A_613] : memref<16640xf32, #tpu.memory_space<vmem>>[vector<16xi32>], vector<16xf32>,
      %mul3A_615 = arith.constant 16 : i32
      %mul3A_616 = arith.muli %scan3A_175, %mul3A_615 : i32
      %swap3A_617 = arith.constant 33 : i32
      %swap3A_618 = arith.index_cast %swap3A_617 : i32 to index
      %swap3A_619 = arith.index_cast %mul3A_616 : i32 to index
      %swap3A_620 = tpu.vector_load %arg8[%swap3A_618, %swap3A_619] {strides = array<i32>} : memref<64x256xf32, #tpu.memory_space<vmem>>, vector<16xf32>,
      tpu.vector_store %arg8[%swap3A_618, %swap3A_619], %gather3A_614 {strides = array<i32>} : memref<64x256xf32, #tpu.memory_space<vmem>>, vector<16xf32>,
      %mul3A_621 = arith.constant 65 : i32
      %mul3A_622 = vector.broadcast %mul3A_621 : i32 to vector<16xi32>
      %mul3A_623 = arith.muli %add3A_179, %mul3A_622 : vector<16xi32>
      %add3A_624 = arith.constant 34 : i32
      %add3A_625 = vector.broadcast %add3A_624 : i32 to vector<16xi32>
      %add3A_626 = arith.addi %mul3A_623, %add3A_625 : vector<16xi32>
      %gather3A_627 = tpu.vector_load_idx %arg7[%add3A_626] : memref<16640xf32, #tpu.memory_space<vmem>>[vector<16xi32>], vector<16xf32>,
      %mul3A_628 = arith.constant 16 : i32
      %mul3A_629 = arith.muli %scan3A_175, %mul3A_628 : i32
      %swap3A_630 = arith.constant 34 : i32
      %swap3A_631 = arith.index_cast %swap3A_630 : i32 to index
      %swap3A_632 = arith.index_cast %mul3A_629 : i32 to index
      %swap3A_633 = tpu.vector_load %arg8[%swap3A_631, %swap3A_632] {strides = array<i32>} : memref<64x256xf32, #tpu.memory_space<vmem>>, vector<16xf32>,
      tpu.vector_store %arg8[%swap3A_631, %swap3A_632], %gather3A_627 {strides = array<i32>} : memref<64x256xf32, #tpu.memory_space<vmem>>, vector<16xf32>,
      %mul3A_634 = arith.constant 65 : i32
      %mul3A_635 = vector.broadcast %mul3A_634 : i32 to vector<16xi32>
      %mul3A_636 = arith.muli %add3A_179, %mul3A_635 : vector<16xi32>
      %add3A_637 = arith.constant 35 : i32
      %add3A_638 = vector.broadcast %add3A_637 : i32 to vector<16xi32>
      %add3A_639 = arith.addi %mul3A_636, %add3A_638 : vector<16xi32>
      %gather3A_640 = tpu.vector_load_idx %arg7[%add3A_639] : memref<16640xf32, #tpu.memory_space<vmem>>[vector<16xi32>], vector<16xf32>,
      %mul3A_641 = arith.constant 16 : i32
      %mul3A_642 = arith.muli %scan3A_175, %mul3A_641 : i32
      %swap3A_643 = arith.constant 35 : i32
      %swap3A_644 = arith.index_cast %swap3A_643 : i32 to index
      %swap3A_645 = arith.index_cast %mul3A_642 : i32 to index
      %swap3A_646 = tpu.vector_load %arg8[%swap3A_644, %swap3A_645] {strides = array<i32>} : memref<64x256xf32, #tpu.memory_space<vmem>>, vector<16xf32>,
      tpu.vector_store %arg8[%swap3A_644, %swap3A_645], %gather3A_640 {strides = array<i32>} : memref<64x256xf32, #tpu.memory_space<vmem>>, vector<16xf32>,
      %mul3A_647 = arith.constant 65 : i32
      %mul3A_648 = vector.broadcast %mul3A_647 : i32 to vector<16xi32>
      %mul3A_649 = arith.muli %add3A_179, %mul3A_648 : vector<16xi32>
      %add3A_650 = arith.constant 36 : i32
      %add3A_651 = vector.broadcast %add3A_650 : i32 to vector<16xi32>
      %add3A_652 = arith.addi %mul3A_649, %add3A_651 : vector<16xi32>
      %gather3A_653 = tpu.vector_load_idx %arg7[%add3A_652] : memref<16640xf32, #tpu.memory_space<vmem>>[vector<16xi32>], vector<16xf32>,
      %mul3A_654 = arith.constant 16 : i32
      %mul3A_655 = arith.muli %scan3A_175, %mul3A_654 : i32
      %swap3A_656 = arith.constant 36 : i32
      %swap3A_657 = arith.index_cast %swap3A_656 : i32 to index
      %swap3A_658 = arith.index_cast %mul3A_655 : i32 to index
      %swap3A_659 = tpu.vector_load %arg8[%swap3A_657, %swap3A_658] {strides = array<i32>} : memref<64x256xf32, #tpu.memory_space<vmem>>, vector<16xf32>,
      tpu.vector_store %arg8[%swap3A_657, %swap3A_658], %gather3A_653 {strides = array<i32>} : memref<64x256xf32, #tpu.memory_space<vmem>>, vector<16xf32>,
      %mul3A_660 = arith.constant 65 : i32
      %mul3A_661 = vector.broadcast %mul3A_660 : i32 to vector<16xi32>
      %mul3A_662 = arith.muli %add3A_179, %mul3A_661 : vector<16xi32>
      %add3A_663 = arith.constant 37 : i32
      %add3A_664 = vector.broadcast %add3A_663 : i32 to vector<16xi32>
      %add3A_665 = arith.addi %mul3A_662, %add3A_664 : vector<16xi32>
      %gather3A_666 = tpu.vector_load_idx %arg7[%add3A_665] : memref<16640xf32, #tpu.memory_space<vmem>>[vector<16xi32>], vector<16xf32>,
      %mul3A_667 = arith.constant 16 : i32
      %mul3A_668 = arith.muli %scan3A_175, %mul3A_667 : i32
      %swap3A_669 = arith.constant 37 : i32
      %swap3A_670 = arith.index_cast %swap3A_669 : i32 to index
      %swap3A_671 = arith.index_cast %mul3A_668 : i32 to index
      %swap3A_672 = tpu.vector_load %arg8[%swap3A_670, %swap3A_671] {strides = array<i32>} : memref<64x256xf32, #tpu.memory_space<vmem>>, vector<16xf32>,
      tpu.vector_store %arg8[%swap3A_670, %swap3A_671], %gather3A_666 {strides = array<i32>} : memref<64x256xf32, #tpu.memory_space<vmem>>, vector<16xf32>,
      %mul3A_673 = arith.constant 65 : i32
      %mul3A_674 = vector.broadcast %mul3A_673 : i32 to vector<16xi32>
      %mul3A_675 = arith.muli %add3A_179, %mul3A_674 : vector<16xi32>
      %add3A_676 = arith.constant 38 : i32
      %add3A_677 = vector.broadcast %add3A_676 : i32 to vector<16xi32>
      %add3A_678 = arith.addi %mul3A_675, %add3A_677 : vector<16xi32>
      %gather3A_679 = tpu.vector_load_idx %arg7[%add3A_678] : memref<16640xf32, #tpu.memory_space<vmem>>[vector<16xi32>], vector<16xf32>,
      %mul3A_680 = arith.constant 16 : i32
      %mul3A_681 = arith.muli %scan3A_175, %mul3A_680 : i32
      %swap3A_682 = arith.constant 38 : i32
      %swap3A_683 = arith.index_cast %swap3A_682 : i32 to index
      %swap3A_684 = arith.index_cast %mul3A_681 : i32 to index
      %swap3A_685 = tpu.vector_load %arg8[%swap3A_683, %swap3A_684] {strides = array<i32>} : memref<64x256xf32, #tpu.memory_space<vmem>>, vector<16xf32>,
      tpu.vector_store %arg8[%swap3A_683, %swap3A_684], %gather3A_679 {strides = array<i32>} : memref<64x256xf32, #tpu.memory_space<vmem>>, vector<16xf32>,
      %mul3A_686 = arith.constant 65 : i32
      %mul3A_687 = vector.broadcast %mul3A_686 : i32 to vector<16xi32>
      %mul3A_688 = arith.muli %add3A_179, %mul3A_687 : vector<16xi32>
      %add3A_689 = arith.constant 39 : i32
      %add3A_690 = vector.broadcast %add3A_689 : i32 to vector<16xi32>
      %add3A_691 = arith.addi %mul3A_688, %add3A_690 : vector<16xi32>
      %gather3A_692 = tpu.vector_load_idx %arg7[%add3A_691] : memref<16640xf32, #tpu.memory_space<vmem>>[vector<16xi32>], vector<16xf32>,
      %mul3A_693 = arith.constant 16 : i32
      %mul3A_694 = arith.muli %scan3A_175, %mul3A_693 : i32
      %swap3A_695 = arith.constant 39 : i32
      %swap3A_696 = arith.index_cast %swap3A_695 : i32 to index
      %swap3A_697 = arith.index_cast %mul3A_694 : i32 to index
      %swap3A_698 = tpu.vector_load %arg8[%swap3A_696, %swap3A_697] {strides = array<i32>} : memref<64x256xf32, #tpu.memory_space<vmem>>, vector<16xf32>,
      tpu.vector_store %arg8[%swap3A_696, %swap3A_697], %gather3A_692 {strides = array<i32>} : memref<64x256xf32, #tpu.memory_space<vmem>>, vector<16xf32>,
      %mul3A_699 = arith.constant 65 : i32
      %mul3A_700 = vector.broadcast %mul3A_699 : i32 to vector<16xi32>
      %mul3A_701 = arith.muli %add3A_179, %mul3A_700 : vector<16xi32>
      %add3A_702 = arith.constant 40 : i32
      %add3A_703 = vector.broadcast %add3A_702 : i32 to vector<16xi32>
      %add3A_704 = arith.addi %mul3A_701, %add3A_703 : vector<16xi32>
      %gather3A_705 = tpu.vector_load_idx %arg7[%add3A_704] : memref<16640xf32, #tpu.memory_space<vmem>>[vector<16xi32>], vector<16xf32>,
      %mul3A_706 = arith.constant 16 : i32
      %mul3A_707 = arith.muli %scan3A_175, %mul3A_706 : i32
      %swap3A_708 = arith.constant 40 : i32
      %swap3A_709 = arith.index_cast %swap3A_708 : i32 to index
      %swap3A_710 = arith.index_cast %mul3A_707 : i32 to index
      %swap3A_711 = tpu.vector_load %arg8[%swap3A_709, %swap3A_710] {strides = array<i32>} : memref<64x256xf32, #tpu.memory_space<vmem>>, vector<16xf32>,
      tpu.vector_store %arg8[%swap3A_709, %swap3A_710], %gather3A_705 {strides = array<i32>} : memref<64x256xf32, #tpu.memory_space<vmem>>, vector<16xf32>,
      %mul3A_712 = arith.constant 65 : i32
      %mul3A_713 = vector.broadcast %mul3A_712 : i32 to vector<16xi32>
      %mul3A_714 = arith.muli %add3A_179, %mul3A_713 : vector<16xi32>
      %add3A_715 = arith.constant 41 : i32
      %add3A_716 = vector.broadcast %add3A_715 : i32 to vector<16xi32>
      %add3A_717 = arith.addi %mul3A_714, %add3A_716 : vector<16xi32>
      %gather3A_718 = tpu.vector_load_idx %arg7[%add3A_717] : memref<16640xf32, #tpu.memory_space<vmem>>[vector<16xi32>], vector<16xf32>,
      %mul3A_719 = arith.constant 16 : i32
      %mul3A_720 = arith.muli %scan3A_175, %mul3A_719 : i32
      %swap3A_721 = arith.constant 41 : i32
      %swap3A_722 = arith.index_cast %swap3A_721 : i32 to index
      %swap3A_723 = arith.index_cast %mul3A_720 : i32 to index
      %swap3A_724 = tpu.vector_load %arg8[%swap3A_722, %swap3A_723] {strides = array<i32>} : memref<64x256xf32, #tpu.memory_space<vmem>>, vector<16xf32>,
      tpu.vector_store %arg8[%swap3A_722, %swap3A_723], %gather3A_718 {strides = array<i32>} : memref<64x256xf32, #tpu.memory_space<vmem>>, vector<16xf32>,
      %mul3A_725 = arith.constant 65 : i32
      %mul3A_726 = vector.broadcast %mul3A_725 : i32 to vector<16xi32>
      %mul3A_727 = arith.muli %add3A_179, %mul3A_726 : vector<16xi32>
      %add3A_728 = arith.constant 42 : i32
      %add3A_729 = vector.broadcast %add3A_728 : i32 to vector<16xi32>
      %add3A_730 = arith.addi %mul3A_727, %add3A_729 : vector<16xi32>
      %gather3A_731 = tpu.vector_load_idx %arg7[%add3A_730] : memref<16640xf32, #tpu.memory_space<vmem>>[vector<16xi32>], vector<16xf32>,
      %mul3A_732 = arith.constant 16 : i32
      %mul3A_733 = arith.muli %scan3A_175, %mul3A_732 : i32
      %swap3A_734 = arith.constant 42 : i32
      %swap3A_735 = arith.index_cast %swap3A_734 : i32 to index
      %swap3A_736 = arith.index_cast %mul3A_733 : i32 to index
      %swap3A_737 = tpu.vector_load %arg8[%swap3A_735, %swap3A_736] {strides = array<i32>} : memref<64x256xf32, #tpu.memory_space<vmem>>, vector<16xf32>,
      tpu.vector_store %arg8[%swap3A_735, %swap3A_736], %gather3A_731 {strides = array<i32>} : memref<64x256xf32, #tpu.memory_space<vmem>>, vector<16xf32>,
      %mul3A_738 = arith.constant 65 : i32
      %mul3A_739 = vector.broadcast %mul3A_738 : i32 to vector<16xi32>
      %mul3A_740 = arith.muli %add3A_179, %mul3A_739 : vector<16xi32>
      %add3A_741 = arith.constant 43 : i32
      %add3A_742 = vector.broadcast %add3A_741 : i32 to vector<16xi32>
      %add3A_743 = arith.addi %mul3A_740, %add3A_742 : vector<16xi32>
      %gather3A_744 = tpu.vector_load_idx %arg7[%add3A_743] : memref<16640xf32, #tpu.memory_space<vmem>>[vector<16xi32>], vector<16xf32>,
      %mul3A_745 = arith.constant 16 : i32
      %mul3A_746 = arith.muli %scan3A_175, %mul3A_745 : i32
      %swap3A_747 = arith.constant 43 : i32
      %swap3A_748 = arith.index_cast %swap3A_747 : i32 to index
      %swap3A_749 = arith.index_cast %mul3A_746 : i32 to index
      %swap3A_750 = tpu.vector_load %arg8[%swap3A_748, %swap3A_749] {strides = array<i32>} : memref<64x256xf32, #tpu.memory_space<vmem>>, vector<16xf32>,
      tpu.vector_store %arg8[%swap3A_748, %swap3A_749], %gather3A_744 {strides = array<i32>} : memref<64x256xf32, #tpu.memory_space<vmem>>, vector<16xf32>,
      %mul3A_751 = arith.constant 65 : i32
      %mul3A_752 = vector.broadcast %mul3A_751 : i32 to vector<16xi32>
      %mul3A_753 = arith.muli %add3A_179, %mul3A_752 : vector<16xi32>
      %add3A_754 = arith.constant 44 : i32
      %add3A_755 = vector.broadcast %add3A_754 : i32 to vector<16xi32>
      %add3A_756 = arith.addi %mul3A_753, %add3A_755 : vector<16xi32>
      %gather3A_757 = tpu.vector_load_idx %arg7[%add3A_756] : memref<16640xf32, #tpu.memory_space<vmem>>[vector<16xi32>], vector<16xf32>,
      %mul3A_758 = arith.constant 16 : i32
      %mul3A_759 = arith.muli %scan3A_175, %mul3A_758 : i32
      %swap3A_760 = arith.constant 44 : i32
      %swap3A_761 = arith.index_cast %swap3A_760 : i32 to index
      %swap3A_762 = arith.index_cast %mul3A_759 : i32 to index
      %swap3A_763 = tpu.vector_load %arg8[%swap3A_761, %swap3A_762] {strides = array<i32>} : memref<64x256xf32, #tpu.memory_space<vmem>>, vector<16xf32>,
      tpu.vector_store %arg8[%swap3A_761, %swap3A_762], %gather3A_757 {strides = array<i32>} : memref<64x256xf32, #tpu.memory_space<vmem>>, vector<16xf32>,
      %mul3A_764 = arith.constant 65 : i32
      %mul3A_765 = vector.broadcast %mul3A_764 : i32 to vector<16xi32>
      %mul3A_766 = arith.muli %add3A_179, %mul3A_765 : vector<16xi32>
      %add3A_767 = arith.constant 45 : i32
      %add3A_768 = vector.broadcast %add3A_767 : i32 to vector<16xi32>
      %add3A_769 = arith.addi %mul3A_766, %add3A_768 : vector<16xi32>
      %gather3A_770 = tpu.vector_load_idx %arg7[%add3A_769] : memref<16640xf32, #tpu.memory_space<vmem>>[vector<16xi32>], vector<16xf32>,
      %mul3A_771 = arith.constant 16 : i32
      %mul3A_772 = arith.muli %scan3A_175, %mul3A_771 : i32
      %swap3A_773 = arith.constant 45 : i32
      %swap3A_774 = arith.index_cast %swap3A_773 : i32 to index
      %swap3A_775 = arith.index_cast %mul3A_772 : i32 to index
      %swap3A_776 = tpu.vector_load %arg8[%swap3A_774, %swap3A_775] {strides = array<i32>} : memref<64x256xf32, #tpu.memory_space<vmem>>, vector<16xf32>,
      tpu.vector_store %arg8[%swap3A_774, %swap3A_775], %gather3A_770 {strides = array<i32>} : memref<64x256xf32, #tpu.memory_space<vmem>>, vector<16xf32>,
      %mul3A_777 = arith.constant 65 : i32
      %mul3A_778 = vector.broadcast %mul3A_777 : i32 to vector<16xi32>
      %mul3A_779 = arith.muli %add3A_179, %mul3A_778 : vector<16xi32>
      %add3A_780 = arith.constant 46 : i32
      %add3A_781 = vector.broadcast %add3A_780 : i32 to vector<16xi32>
      %add3A_782 = arith.addi %mul3A_779, %add3A_781 : vector<16xi32>
      %gather3A_783 = tpu.vector_load_idx %arg7[%add3A_782] : memref<16640xf32, #tpu.memory_space<vmem>>[vector<16xi32>], vector<16xf32>,
      %mul3A_784 = arith.constant 16 : i32
      %mul3A_785 = arith.muli %scan3A_175, %mul3A_784 : i32
      %swap3A_786 = arith.constant 46 : i32
      %swap3A_787 = arith.index_cast %swap3A_786 : i32 to index
      %swap3A_788 = arith.index_cast %mul3A_785 : i32 to index
      %swap3A_789 = tpu.vector_load %arg8[%swap3A_787, %swap3A_788] {strides = array<i32>} : memref<64x256xf32, #tpu.memory_space<vmem>>, vector<16xf32>,
      tpu.vector_store %arg8[%swap3A_787, %swap3A_788], %gather3A_783 {strides = array<i32>} : memref<64x256xf32, #tpu.memory_space<vmem>>, vector<16xf32>,
      %mul3A_790 = arith.constant 65 : i32
      %mul3A_791 = vector.broadcast %mul3A_790 : i32 to vector<16xi32>
      %mul3A_792 = arith.muli %add3A_179, %mul3A_791 : vector<16xi32>
      %add3A_793 = arith.constant 47 : i32
      %add3A_794 = vector.broadcast %add3A_793 : i32 to vector<16xi32>
      %add3A_795 = arith.addi %mul3A_792, %add3A_794 : vector<16xi32>
      %gather3A_796 = tpu.vector_load_idx %arg7[%add3A_795] : memref<16640xf32, #tpu.memory_space<vmem>>[vector<16xi32>], vector<16xf32>,
      %mul3A_797 = arith.constant 16 : i32
      %mul3A_798 = arith.muli %scan3A_175, %mul3A_797 : i32
      %swap3A_799 = arith.constant 47 : i32
      %swap3A_800 = arith.index_cast %swap3A_799 : i32 to index
      %swap3A_801 = arith.index_cast %mul3A_798 : i32 to index
      %swap3A_802 = tpu.vector_load %arg8[%swap3A_800, %swap3A_801] {strides = array<i32>} : memref<64x256xf32, #tpu.memory_space<vmem>>, vector<16xf32>,
      tpu.vector_store %arg8[%swap3A_800, %swap3A_801], %gather3A_796 {strides = array<i32>} : memref<64x256xf32, #tpu.memory_space<vmem>>, vector<16xf32>,
      %mul3A_803 = arith.constant 65 : i32
      %mul3A_804 = vector.broadcast %mul3A_803 : i32 to vector<16xi32>
      %mul3A_805 = arith.muli %add3A_179, %mul3A_804 : vector<16xi32>
      %add3A_806 = arith.constant 48 : i32
      %add3A_807 = vector.broadcast %add3A_806 : i32 to vector<16xi32>
      %add3A_808 = arith.addi %mul3A_805, %add3A_807 : vector<16xi32>
      %gather3A_809 = tpu.vector_load_idx %arg7[%add3A_808] : memref<16640xf32, #tpu.memory_space<vmem>>[vector<16xi32>], vector<16xf32>,
      %mul3A_810 = arith.constant 16 : i32
      %mul3A_811 = arith.muli %scan3A_175, %mul3A_810 : i32
      %swap3A_812 = arith.constant 48 : i32
      %swap3A_813 = arith.index_cast %swap3A_812 : i32 to index
      %swap3A_814 = arith.index_cast %mul3A_811 : i32 to index
      %swap3A_815 = tpu.vector_load %arg8[%swap3A_813, %swap3A_814] {strides = array<i32>} : memref<64x256xf32, #tpu.memory_space<vmem>>, vector<16xf32>,
      tpu.vector_store %arg8[%swap3A_813, %swap3A_814], %gather3A_809 {strides = array<i32>} : memref<64x256xf32, #tpu.memory_space<vmem>>, vector<16xf32>,
      %mul3A_816 = arith.constant 65 : i32
      %mul3A_817 = vector.broadcast %mul3A_816 : i32 to vector<16xi32>
      %mul3A_818 = arith.muli %add3A_179, %mul3A_817 : vector<16xi32>
      %add3A_819 = arith.constant 49 : i32
      %add3A_820 = vector.broadcast %add3A_819 : i32 to vector<16xi32>
      %add3A_821 = arith.addi %mul3A_818, %add3A_820 : vector<16xi32>
      %gather3A_822 = tpu.vector_load_idx %arg7[%add3A_821] : memref<16640xf32, #tpu.memory_space<vmem>>[vector<16xi32>], vector<16xf32>,
      %mul3A_823 = arith.constant 16 : i32
      %mul3A_824 = arith.muli %scan3A_175, %mul3A_823 : i32
      %swap3A_825 = arith.constant 49 : i32
      %swap3A_826 = arith.index_cast %swap3A_825 : i32 to index
      %swap3A_827 = arith.index_cast %mul3A_824 : i32 to index
      %swap3A_828 = tpu.vector_load %arg8[%swap3A_826, %swap3A_827] {strides = array<i32>} : memref<64x256xf32, #tpu.memory_space<vmem>>, vector<16xf32>,
      tpu.vector_store %arg8[%swap3A_826, %swap3A_827], %gather3A_822 {strides = array<i32>} : memref<64x256xf32, #tpu.memory_space<vmem>>, vector<16xf32>,
      %mul3A_829 = arith.constant 65 : i32
      %mul3A_830 = vector.broadcast %mul3A_829 : i32 to vector<16xi32>
      %mul3A_831 = arith.muli %add3A_179, %mul3A_830 : vector<16xi32>
      %add3A_832 = arith.constant 50 : i32
      %add3A_833 = vector.broadcast %add3A_832 : i32 to vector<16xi32>
      %add3A_834 = arith.addi %mul3A_831, %add3A_833 : vector<16xi32>
      %gather3A_835 = tpu.vector_load_idx %arg7[%add3A_834] : memref<16640xf32, #tpu.memory_space<vmem>>[vector<16xi32>], vector<16xf32>,
      %mul3A_836 = arith.constant 16 : i32
      %mul3A_837 = arith.muli %scan3A_175, %mul3A_836 : i32
      %swap3A_838 = arith.constant 50 : i32
      %swap3A_839 = arith.index_cast %swap3A_838 : i32 to index
      %swap3A_840 = arith.index_cast %mul3A_837 : i32 to index
      %swap3A_841 = tpu.vector_load %arg8[%swap3A_839, %swap3A_840] {strides = array<i32>} : memref<64x256xf32, #tpu.memory_space<vmem>>, vector<16xf32>,
      tpu.vector_store %arg8[%swap3A_839, %swap3A_840], %gather3A_835 {strides = array<i32>} : memref<64x256xf32, #tpu.memory_space<vmem>>, vector<16xf32>,
      %mul3A_842 = arith.constant 65 : i32
      %mul3A_843 = vector.broadcast %mul3A_842 : i32 to vector<16xi32>
      %mul3A_844 = arith.muli %add3A_179, %mul3A_843 : vector<16xi32>
      %add3A_845 = arith.constant 51 : i32
      %add3A_846 = vector.broadcast %add3A_845 : i32 to vector<16xi32>
      %add3A_847 = arith.addi %mul3A_844, %add3A_846 : vector<16xi32>
      %gather3A_848 = tpu.vector_load_idx %arg7[%add3A_847] : memref<16640xf32, #tpu.memory_space<vmem>>[vector<16xi32>], vector<16xf32>,
      %mul3A_849 = arith.constant 16 : i32
      %mul3A_850 = arith.muli %scan3A_175, %mul3A_849 : i32
      %swap3A_851 = arith.constant 51 : i32
      %swap3A_852 = arith.index_cast %swap3A_851 : i32 to index
      %swap3A_853 = arith.index_cast %mul3A_850 : i32 to index
      %swap3A_854 = tpu.vector_load %arg8[%swap3A_852, %swap3A_853] {strides = array<i32>} : memref<64x256xf32, #tpu.memory_space<vmem>>, vector<16xf32>,
      tpu.vector_store %arg8[%swap3A_852, %swap3A_853], %gather3A_848 {strides = array<i32>} : memref<64x256xf32, #tpu.memory_space<vmem>>, vector<16xf32>,
      %mul3A_855 = arith.constant 65 : i32
      %mul3A_856 = vector.broadcast %mul3A_855 : i32 to vector<16xi32>
      %mul3A_857 = arith.muli %add3A_179, %mul3A_856 : vector<16xi32>
      %add3A_858 = arith.constant 52 : i32
      %add3A_859 = vector.broadcast %add3A_858 : i32 to vector<16xi32>
      %add3A_860 = arith.addi %mul3A_857, %add3A_859 : vector<16xi32>
      %gather3A_861 = tpu.vector_load_idx %arg7[%add3A_860] : memref<16640xf32, #tpu.memory_space<vmem>>[vector<16xi32>], vector<16xf32>,
      %mul3A_862 = arith.constant 16 : i32
      %mul3A_863 = arith.muli %scan3A_175, %mul3A_862 : i32
      %swap3A_864 = arith.constant 52 : i32
      %swap3A_865 = arith.index_cast %swap3A_864 : i32 to index
      %swap3A_866 = arith.index_cast %mul3A_863 : i32 to index
      %swap3A_867 = tpu.vector_load %arg8[%swap3A_865, %swap3A_866] {strides = array<i32>} : memref<64x256xf32, #tpu.memory_space<vmem>>, vector<16xf32>,
      tpu.vector_store %arg8[%swap3A_865, %swap3A_866], %gather3A_861 {strides = array<i32>} : memref<64x256xf32, #tpu.memory_space<vmem>>, vector<16xf32>,
      %mul3A_868 = arith.constant 65 : i32
      %mul3A_869 = vector.broadcast %mul3A_868 : i32 to vector<16xi32>
      %mul3A_870 = arith.muli %add3A_179, %mul3A_869 : vector<16xi32>
      %add3A_871 = arith.constant 53 : i32
      %add3A_872 = vector.broadcast %add3A_871 : i32 to vector<16xi32>
      %add3A_873 = arith.addi %mul3A_870, %add3A_872 : vector<16xi32>
      %gather3A_874 = tpu.vector_load_idx %arg7[%add3A_873] : memref<16640xf32, #tpu.memory_space<vmem>>[vector<16xi32>], vector<16xf32>,
      %mul3A_875 = arith.constant 16 : i32
      %mul3A_876 = arith.muli %scan3A_175, %mul3A_875 : i32
      %swap3A_877 = arith.constant 53 : i32
      %swap3A_878 = arith.index_cast %swap3A_877 : i32 to index
      %swap3A_879 = arith.index_cast %mul3A_876 : i32 to index
      %swap3A_880 = tpu.vector_load %arg8[%swap3A_878, %swap3A_879] {strides = array<i32>} : memref<64x256xf32, #tpu.memory_space<vmem>>, vector<16xf32>,
      tpu.vector_store %arg8[%swap3A_878, %swap3A_879], %gather3A_874 {strides = array<i32>} : memref<64x256xf32, #tpu.memory_space<vmem>>, vector<16xf32>,
      %mul3A_881 = arith.constant 65 : i32
      %mul3A_882 = vector.broadcast %mul3A_881 : i32 to vector<16xi32>
      %mul3A_883 = arith.muli %add3A_179, %mul3A_882 : vector<16xi32>
      %add3A_884 = arith.constant 54 : i32
      %add3A_885 = vector.broadcast %add3A_884 : i32 to vector<16xi32>
      %add3A_886 = arith.addi %mul3A_883, %add3A_885 : vector<16xi32>
      %gather3A_887 = tpu.vector_load_idx %arg7[%add3A_886] : memref<16640xf32, #tpu.memory_space<vmem>>[vector<16xi32>], vector<16xf32>,
      %mul3A_888 = arith.constant 16 : i32
      %mul3A_889 = arith.muli %scan3A_175, %mul3A_888 : i32
      %swap3A_890 = arith.constant 54 : i32
      %swap3A_891 = arith.index_cast %swap3A_890 : i32 to index
      %swap3A_892 = arith.index_cast %mul3A_889 : i32 to index
      %swap3A_893 = tpu.vector_load %arg8[%swap3A_891, %swap3A_892] {strides = array<i32>} : memref<64x256xf32, #tpu.memory_space<vmem>>, vector<16xf32>,
      tpu.vector_store %arg8[%swap3A_891, %swap3A_892], %gather3A_887 {strides = array<i32>} : memref<64x256xf32, #tpu.memory_space<vmem>>, vector<16xf32>,
      %mul3A_894 = arith.constant 65 : i32
      %mul3A_895 = vector.broadcast %mul3A_894 : i32 to vector<16xi32>
      %mul3A_896 = arith.muli %add3A_179, %mul3A_895 : vector<16xi32>
      %add3A_897 = arith.constant 55 : i32
      %add3A_898 = vector.broadcast %add3A_897 : i32 to vector<16xi32>
      %add3A_899 = arith.addi %mul3A_896, %add3A_898 : vector<16xi32>
      %gather3A_900 = tpu.vector_load_idx %arg7[%add3A_899] : memref<16640xf32, #tpu.memory_space<vmem>>[vector<16xi32>], vector<16xf32>,
      %mul3A_901 = arith.constant 16 : i32
      %mul3A_902 = arith.muli %scan3A_175, %mul3A_901 : i32
      %swap3A_903 = arith.constant 55 : i32
      %swap3A_904 = arith.index_cast %swap3A_903 : i32 to index
      %swap3A_905 = arith.index_cast %mul3A_902 : i32 to index
      %swap3A_906 = tpu.vector_load %arg8[%swap3A_904, %swap3A_905] {strides = array<i32>} : memref<64x256xf32, #tpu.memory_space<vmem>>, vector<16xf32>,
      tpu.vector_store %arg8[%swap3A_904, %swap3A_905], %gather3A_900 {strides = array<i32>} : memref<64x256xf32, #tpu.memory_space<vmem>>, vector<16xf32>,
      %mul3A_907 = arith.constant 65 : i32
      %mul3A_908 = vector.broadcast %mul3A_907 : i32 to vector<16xi32>
      %mul3A_909 = arith.muli %add3A_179, %mul3A_908 : vector<16xi32>
      %add3A_910 = arith.constant 56 : i32
      %add3A_911 = vector.broadcast %add3A_910 : i32 to vector<16xi32>
      %add3A_912 = arith.addi %mul3A_909, %add3A_911 : vector<16xi32>
      %gather3A_913 = tpu.vector_load_idx %arg7[%add3A_912] : memref<16640xf32, #tpu.memory_space<vmem>>[vector<16xi32>], vector<16xf32>,
      %mul3A_914 = arith.constant 16 : i32
      %mul3A_915 = arith.muli %scan3A_175, %mul3A_914 : i32
      %swap3A_916 = arith.constant 56 : i32
      %swap3A_917 = arith.index_cast %swap3A_916 : i32 to index
      %swap3A_918 = arith.index_cast %mul3A_915 : i32 to index
      %swap3A_919 = tpu.vector_load %arg8[%swap3A_917, %swap3A_918] {strides = array<i32>} : memref<64x256xf32, #tpu.memory_space<vmem>>, vector<16xf32>,
      tpu.vector_store %arg8[%swap3A_917, %swap3A_918], %gather3A_913 {strides = array<i32>} : memref<64x256xf32, #tpu.memory_space<vmem>>, vector<16xf32>,
      %mul3A_920 = arith.constant 65 : i32
      %mul3A_921 = vector.broadcast %mul3A_920 : i32 to vector<16xi32>
      %mul3A_922 = arith.muli %add3A_179, %mul3A_921 : vector<16xi32>
      %add3A_923 = arith.constant 57 : i32
      %add3A_924 = vector.broadcast %add3A_923 : i32 to vector<16xi32>
      %add3A_925 = arith.addi %mul3A_922, %add3A_924 : vector<16xi32>
      %gather3A_926 = tpu.vector_load_idx %arg7[%add3A_925] : memref<16640xf32, #tpu.memory_space<vmem>>[vector<16xi32>], vector<16xf32>,
      %mul3A_927 = arith.constant 16 : i32
      %mul3A_928 = arith.muli %scan3A_175, %mul3A_927 : i32
      %swap3A_929 = arith.constant 57 : i32
      %swap3A_930 = arith.index_cast %swap3A_929 : i32 to index
      %swap3A_931 = arith.index_cast %mul3A_928 : i32 to index
      %swap3A_932 = tpu.vector_load %arg8[%swap3A_930, %swap3A_931] {strides = array<i32>} : memref<64x256xf32, #tpu.memory_space<vmem>>, vector<16xf32>,
      tpu.vector_store %arg8[%swap3A_930, %swap3A_931], %gather3A_926 {strides = array<i32>} : memref<64x256xf32, #tpu.memory_space<vmem>>, vector<16xf32>,
      %mul3A_933 = arith.constant 65 : i32
      %mul3A_934 = vector.broadcast %mul3A_933 : i32 to vector<16xi32>
      %mul3A_935 = arith.muli %add3A_179, %mul3A_934 : vector<16xi32>
      %add3A_936 = arith.constant 58 : i32
      %add3A_937 = vector.broadcast %add3A_936 : i32 to vector<16xi32>
      %add3A_938 = arith.addi %mul3A_935, %add3A_937 : vector<16xi32>
      %gather3A_939 = tpu.vector_load_idx %arg7[%add3A_938] : memref<16640xf32, #tpu.memory_space<vmem>>[vector<16xi32>], vector<16xf32>,
      %mul3A_940 = arith.constant 16 : i32
      %mul3A_941 = arith.muli %scan3A_175, %mul3A_940 : i32
      %swap3A_942 = arith.constant 58 : i32
      %swap3A_943 = arith.index_cast %swap3A_942 : i32 to index
      %swap3A_944 = arith.index_cast %mul3A_941 : i32 to index
      %swap3A_945 = tpu.vector_load %arg8[%swap3A_943, %swap3A_944] {strides = array<i32>} : memref<64x256xf32, #tpu.memory_space<vmem>>, vector<16xf32>,
      tpu.vector_store %arg8[%swap3A_943, %swap3A_944], %gather3A_939 {strides = array<i32>} : memref<64x256xf32, #tpu.memory_space<vmem>>, vector<16xf32>,
      %mul3A_946 = arith.constant 65 : i32
      %mul3A_947 = vector.broadcast %mul3A_946 : i32 to vector<16xi32>
      %mul3A_948 = arith.muli %add3A_179, %mul3A_947 : vector<16xi32>
      %add3A_949 = arith.constant 59 : i32
      %add3A_950 = vector.broadcast %add3A_949 : i32 to vector<16xi32>
      %add3A_951 = arith.addi %mul3A_948, %add3A_950 : vector<16xi32>
      %gather3A_952 = tpu.vector_load_idx %arg7[%add3A_951] : memref<16640xf32, #tpu.memory_space<vmem>>[vector<16xi32>], vector<16xf32>,
      %mul3A_953 = arith.constant 16 : i32
      %mul3A_954 = arith.muli %scan3A_175, %mul3A_953 : i32
      %swap3A_955 = arith.constant 59 : i32
      %swap3A_956 = arith.index_cast %swap3A_955 : i32 to index
      %swap3A_957 = arith.index_cast %mul3A_954 : i32 to index
      %swap3A_958 = tpu.vector_load %arg8[%swap3A_956, %swap3A_957] {strides = array<i32>} : memref<64x256xf32, #tpu.memory_space<vmem>>, vector<16xf32>,
      tpu.vector_store %arg8[%swap3A_956, %swap3A_957], %gather3A_952 {strides = array<i32>} : memref<64x256xf32, #tpu.memory_space<vmem>>, vector<16xf32>,
      %mul3A_959 = arith.constant 65 : i32
      %mul3A_960 = vector.broadcast %mul3A_959 : i32 to vector<16xi32>
      %mul3A_961 = arith.muli %add3A_179, %mul3A_960 : vector<16xi32>
      %add3A_962 = arith.constant 60 : i32
      %add3A_963 = vector.broadcast %add3A_962 : i32 to vector<16xi32>
      %add3A_964 = arith.addi %mul3A_961, %add3A_963 : vector<16xi32>
      %gather3A_965 = tpu.vector_load_idx %arg7[%add3A_964] : memref<16640xf32, #tpu.memory_space<vmem>>[vector<16xi32>], vector<16xf32>,
      %mul3A_966 = arith.constant 16 : i32
      %mul3A_967 = arith.muli %scan3A_175, %mul3A_966 : i32
      %swap3A_968 = arith.constant 60 : i32
      %swap3A_969 = arith.index_cast %swap3A_968 : i32 to index
      %swap3A_970 = arith.index_cast %mul3A_967 : i32 to index
      %swap3A_971 = tpu.vector_load %arg8[%swap3A_969, %swap3A_970] {strides = array<i32>} : memref<64x256xf32, #tpu.memory_space<vmem>>, vector<16xf32>,
      tpu.vector_store %arg8[%swap3A_969, %swap3A_970], %gather3A_965 {strides = array<i32>} : memref<64x256xf32, #tpu.memory_space<vmem>>, vector<16xf32>,
      %mul3A_972 = arith.constant 65 : i32
      %mul3A_973 = vector.broadcast %mul3A_972 : i32 to vector<16xi32>
      %mul3A_974 = arith.muli %add3A_179, %mul3A_973 : vector<16xi32>
      %add3A_975 = arith.constant 61 : i32
      %add3A_976 = vector.broadcast %add3A_975 : i32 to vector<16xi32>
      %add3A_977 = arith.addi %mul3A_974, %add3A_976 : vector<16xi32>
      %gather3A_978 = tpu.vector_load_idx %arg7[%add3A_977] : memref<16640xf32, #tpu.memory_space<vmem>>[vector<16xi32>], vector<16xf32>,
      %mul3A_979 = arith.constant 16 : i32
      %mul3A_980 = arith.muli %scan3A_175, %mul3A_979 : i32
      %swap3A_981 = arith.constant 61 : i32
      %swap3A_982 = arith.index_cast %swap3A_981 : i32 to index
      %swap3A_983 = arith.index_cast %mul3A_980 : i32 to index
      %swap3A_984 = tpu.vector_load %arg8[%swap3A_982, %swap3A_983] {strides = array<i32>} : memref<64x256xf32, #tpu.memory_space<vmem>>, vector<16xf32>,
      tpu.vector_store %arg8[%swap3A_982, %swap3A_983], %gather3A_978 {strides = array<i32>} : memref<64x256xf32, #tpu.memory_space<vmem>>, vector<16xf32>,
      %mul3A_985 = arith.constant 65 : i32
      %mul3A_986 = vector.broadcast %mul3A_985 : i32 to vector<16xi32>
      %mul3A_987 = arith.muli %add3A_179, %mul3A_986 : vector<16xi32>
      %add3A_988 = arith.constant 62 : i32
      %add3A_989 = vector.broadcast %add3A_988 : i32 to vector<16xi32>
      %add3A_990 = arith.addi %mul3A_987, %add3A_989 : vector<16xi32>
      %gather3A_991 = tpu.vector_load_idx %arg7[%add3A_990] : memref<16640xf32, #tpu.memory_space<vmem>>[vector<16xi32>], vector<16xf32>,
      %mul3A_992 = arith.constant 16 : i32
      %mul3A_993 = arith.muli %scan3A_175, %mul3A_992 : i32
      %swap3A_994 = arith.constant 62 : i32
      %swap3A_995 = arith.index_cast %swap3A_994 : i32 to index
      %swap3A_996 = arith.index_cast %mul3A_993 : i32 to index
      %swap3A_997 = tpu.vector_load %arg8[%swap3A_995, %swap3A_996] {strides = array<i32>} : memref<64x256xf32, #tpu.memory_space<vmem>>, vector<16xf32>,
      tpu.vector_store %arg8[%swap3A_995, %swap3A_996], %gather3A_991 {strides = array<i32>} : memref<64x256xf32, #tpu.memory_space<vmem>>, vector<16xf32>,
      %mul3A_998 = arith.constant 65 : i32
      %mul3A_999 = vector.broadcast %mul3A_998 : i32 to vector<16xi32>
      %mul3A_1000 = arith.muli %add3A_179, %mul3A_999 : vector<16xi32>
      %add3A_1001 = arith.constant 63 : i32
      %add3A_1002 = vector.broadcast %add3A_1001 : i32 to vector<16xi32>
      %add3A_1003 = arith.addi %mul3A_1000, %add3A_1002 : vector<16xi32>
      %gather3A_1004 = tpu.vector_load_idx %arg7[%add3A_1003] : memref<16640xf32, #tpu.memory_space<vmem>>[vector<16xi32>], vector<16xf32>,
      %mul3A_1005 = arith.constant 16 : i32
      %mul3A_1006 = arith.muli %scan3A_175, %mul3A_1005 : i32
      %swap3A_1007 = arith.constant 63 : i32
      %swap3A_1008 = arith.index_cast %swap3A_1007 : i32 to index
      %swap3A_1009 = arith.index_cast %mul3A_1006 : i32 to index
      %swap3A_1010 = tpu.vector_load %arg8[%swap3A_1008, %swap3A_1009] {strides = array<i32>} : memref<64x256xf32, #tpu.memory_space<vmem>>, vector<16xf32>,
      tpu.vector_store %arg8[%swap3A_1008, %swap3A_1009], %gather3A_1004 {strides = array<i32>} : memref<64x256xf32, #tpu.memory_space<vmem>>, vector<16xf32>,
    }
    %scan3A_174 = arith.constant 16 : i32
    "tpu.region"() ({
      %run_scoped3A = tpu.sem_alloc : memref<!tpu.dma_semaphore, #tpu.memory_space<semaphore_mem>>
      %dma_start3A_175 = arith.constant 0 : i32
      %dma_start3A_176 = arith.constant 0 : i32
      %dma_start3A_177 = tpu.memref_slice %arg4[%dma_start3A_175, %dma_start3A_176] : memref<2048x256xf32, #tpu.memory_space<hbm>> -> memref<2048x256xf32, #tpu.memory_space<hbm>>
      tpu.enqueue_indirect_dma source(%arg8 : memref<64x256xf32, #tpu.memory_space<vmem>>) target(%dma_start3A_177 : memref<2048x256xf32, #tpu.memory_space<hbm>>) offsets(%arg9 : memref<64xi32, #tpu.memory_space<vmem>>) semaphore(%run_scoped3A : memref<!tpu.dma_semaphore, #tpu.memory_space<semaphore_mem>>)
      %dma_wait3A_178 = arith.constant 0 : i32
      %dma_wait3A_179 = arith.constant 0 : i32
      %dma_wait3A_180 = tpu.memref_slice %arg4[%dma_wait3A_178, %dma_wait3A_179] : memref<2048x256xf32, #tpu.memory_space<hbm>> -> memref<2048x256xf32, #tpu.memory_space<hbm>>
      tpu.wait_indirect_dma semaphore(%run_scoped3A : memref<!tpu.dma_semaphore, #tpu.memory_space<semaphore_mem>>) src(%arg8 : memref<64x256xf32, #tpu.memory_space<vmem>>) dst(%dma_wait3A_180 : memref<2048x256xf32, #tpu.memory_space<hbm>>)
      tpu.yield
    }) : () -> ()
    return
  }
}

module attributes {stable_mosaic.version = 14 : i64} {
  func.func @_argmin_body(%arg0: i32, %arg1: memref<1x64x1024xf32, #tpu.memory_space<vmem>>, %arg2: memref<1024x64xf32, #tpu.memory_space<vmem>>, %arg3: memref<1x1x1024xi32, #tpu.memory_space<vmem>>) attributes {dimension_semantics = [#tpu.dimension_semantics<arbitrary>], iteration_bounds = array<i64: 16>, scalar_prefetch = 0 : i64, scratch_operands = 0 : i64, tpu.core_type = #tpu.core_type<tc>, window_params = [{transform_indices = @transform_0, window_bounds = array<i64: 1, 64, 1024>}, {pipeline_mode = #tpu.pipeline_mode<synchronous>, transform_indices = @transform_1, window_bounds = array<i64: 1024, 64>}, {transform_indices = @transform_2, window_bounds = array<i64: 1, 1, 1024>}]} {
    %get3A = arith.constant 0 : index
    %get3A_0 = arith.constant 0 : index
    %get3A_1 = arith.constant 0 : index
    %get3A_2 = vector.load %arg1[%get3A, %get3A_0, %get3A_1] : memref<1x64x1024xf32, #tpu.memory_space<vmem>>, vector<1x64x1024xf32>
    %get3A_3 = vector.shape_cast %get3A_2 : vector<1x64x1024xf32> to vector<64x1024xf32>
    %get3A_4 = arith.constant 0 : index
    %get3A_5 = arith.constant 0 : index
    %get3A_6 = vector.load %arg2[%get3A_4, %get3A_5] : memref<1024x64xf32, #tpu.memory_space<vmem>>, vector<1024x64xf32>
    %dot_general3A = arith.constant dense<0.000000e+00> : vector<1024x1024xf32>
    %dot_general3A_7 = tpu.matmul %get3A_6, %get3A_3, %dot_general3A {dimension_numbers = #tpu.dot_dimension_numbers<[1], [0], [0], [1], [0, 0, 1, 1], [], []>, transpose_lhs_hint = false} : vector<1024x64xf32>, vector<64x1024xf32>, vector<1024x1024xf32> -> vector<1024x1024xf32>
    %mul3A = arith.mulf %get3A_3, %get3A_3 : vector<64x1024xf32>
    %reduce_sum3A = arith.constant dense<0.000000e+00> : vector<1024xf32>
    %reduce_sum3A_8 = vector.multi_reduction <add>, %mul3A, %reduce_sum3A [0] : vector<64x1024xf32> to vector<1024xf32>
    %broadcast_in_dim3A = vector.shape_cast %reduce_sum3A_8 : vector<1024xf32> to vector<1x1024xf32>
    %mul3A_9 = arith.mulf %get3A_6, %get3A_6 : vector<1024x64xf32>
    %reduce_sum3A_10 = arith.constant dense<0.000000e+00> : vector<1024xf32>
    %reduce_sum3A_11 = vector.multi_reduction <add>, %mul3A_9, %reduce_sum3A_10 [1] : vector<1024x64xf32> to vector<1024xf32>
    %broadcast_in_dim3A_12 = vector.shape_cast %reduce_sum3A_11 : vector<1024xf32> to vector<1024x1xf32>
    %add3A = vector.broadcast %broadcast_in_dim3A : vector<1x1024xf32> to vector<1024x1024xf32>
    %add3A_13 = vector.broadcast %broadcast_in_dim3A_12 : vector<1024x1xf32> to vector<1024x1024xf32>
    %add3A_14 = arith.addf %add3A, %add3A_13 : vector<1024x1024xf32>
    %mul3A_15 = arith.constant 2.000000e+00 : f32
    %mul3A_16 = vector.broadcast %mul3A_15 : f32 to vector<1024x1024xf32>
    %mul3A_17 = arith.mulf %mul3A_16, %dot_general3A_7 : vector<1024x1024xf32>
    %sub3A = arith.subf %add3A_14, %mul3A_17 : vector<1024x1024xf32>
    %reduce_min3A = arith.constant dense<0x7F800000> : vector<1024xf32>
    %reduce_min3A_18 = vector.multi_reduction <minimumf>, %sub3A, %reduce_min3A [0] : vector<1024x1024xf32> to vector<1024xf32>
    %broadcast_in_dim3A_19 = vector.shape_cast %reduce_min3A_18 : vector<1024xf32> to vector<1x1024xf32>
    %max3A = arith.constant 0.000000e+00 : f32
    %max3A_20 = vector.broadcast %max3A : f32 to vector<1x1024xf32>
    %max3A_21 = arith.maximumf %broadcast_in_dim3A_19, %max3A_20 : vector<1x1024xf32>
    %sqrt3A = math.sqrt %max3A_21 : vector<1x1024xf32>
    %mul3A_22 = arith.mulf %sqrt3A, %sqrt3A : vector<1x1024xf32>
    %bitcast_convert_type3A = tpu.bitcast %mul3A_22 : vector<1x1024xf32> -> vector<1x1024xi32>
    %add3A_23 = arith.constant -4 : i32
    %add3A_24 = vector.broadcast %add3A_23 : i32 to vector<1x1024xi32>
    %add3A_25 = arith.addi %bitcast_convert_type3A, %add3A_24 : vector<1x1024xi32>
    %bitcast_convert_type3A_26 = tpu.bitcast %add3A_25 : vector<1x1024xi32> -> vector<1x1024xf32>
    %ge3A = arith.constant 0.000000e+00 : f32
    %ge3A_27 = vector.broadcast %ge3A : f32 to vector<1x1024xf32>
    %ge3A_28 = arith.cmpf oge, %bitcast_convert_type3A_26, %ge3A_27 : vector<1x1024xf32>
    %sqrt3A_29 = math.sqrt %bitcast_convert_type3A_26 : vector<1x1024xf32>
    %eq3A = arith.cmpf oeq, %sqrt3A_29, %sqrt3A : vector<1x1024xf32>
    %and3A = arith.andi %ge3A_28, %eq3A : vector<1x1024xi1>
    %max3A_30 = arith.maximumf %max3A_21, %bitcast_convert_type3A_26 : vector<1x1024xf32>
    %select_n3A = arith.select %and3A, %max3A_30, %max3A_21 : vector<1x1024xi1>, vector<1x1024xf32>
    %add3A_31 = arith.constant -3 : i32
    %add3A_32 = vector.broadcast %add3A_31 : i32 to vector<1x1024xi32>
    %add3A_33 = arith.addi %bitcast_convert_type3A, %add3A_32 : vector<1x1024xi32>
    %bitcast_convert_type3A_34 = tpu.bitcast %add3A_33 : vector<1x1024xi32> -> vector<1x1024xf32>
    %ge3A_35 = arith.constant 0.000000e+00 : f32
    %ge3A_36 = vector.broadcast %ge3A_35 : f32 to vector<1x1024xf32>
    %ge3A_37 = arith.cmpf oge, %bitcast_convert_type3A_34, %ge3A_36 : vector<1x1024xf32>
    %sqrt3A_38 = math.sqrt %bitcast_convert_type3A_34 : vector<1x1024xf32>
    %eq3A_39 = arith.cmpf oeq, %sqrt3A_38, %sqrt3A : vector<1x1024xf32>
    %and3A_40 = arith.andi %ge3A_37, %eq3A_39 : vector<1x1024xi1>
    %max3A_41 = arith.maximumf %select_n3A, %bitcast_convert_type3A_34 : vector<1x1024xf32>
    %select_n3A_42 = arith.select %and3A_40, %max3A_41, %select_n3A : vector<1x1024xi1>, vector<1x1024xf32>
    %add3A_43 = arith.constant -2 : i32
    %add3A_44 = vector.broadcast %add3A_43 : i32 to vector<1x1024xi32>
    %add3A_45 = arith.addi %bitcast_convert_type3A, %add3A_44 : vector<1x1024xi32>
    %bitcast_convert_type3A_46 = tpu.bitcast %add3A_45 : vector<1x1024xi32> -> vector<1x1024xf32>
    %ge3A_47 = arith.constant 0.000000e+00 : f32
    %ge3A_48 = vector.broadcast %ge3A_47 : f32 to vector<1x1024xf32>
    %ge3A_49 = arith.cmpf oge, %bitcast_convert_type3A_46, %ge3A_48 : vector<1x1024xf32>
    %sqrt3A_50 = math.sqrt %bitcast_convert_type3A_46 : vector<1x1024xf32>
    %eq3A_51 = arith.cmpf oeq, %sqrt3A_50, %sqrt3A : vector<1x1024xf32>
    %and3A_52 = arith.andi %ge3A_49, %eq3A_51 : vector<1x1024xi1>
    %max3A_53 = arith.maximumf %select_n3A_42, %bitcast_convert_type3A_46 : vector<1x1024xf32>
    %select_n3A_54 = arith.select %and3A_52, %max3A_53, %select_n3A_42 : vector<1x1024xi1>, vector<1x1024xf32>
    %add3A_55 = arith.constant -1 : i32
    %add3A_56 = vector.broadcast %add3A_55 : i32 to vector<1x1024xi32>
    %add3A_57 = arith.addi %bitcast_convert_type3A, %add3A_56 : vector<1x1024xi32>
    %bitcast_convert_type3A_58 = tpu.bitcast %add3A_57 : vector<1x1024xi32> -> vector<1x1024xf32>
    %ge3A_59 = arith.constant 0.000000e+00 : f32
    %ge3A_60 = vector.broadcast %ge3A_59 : f32 to vector<1x1024xf32>
    %ge3A_61 = arith.cmpf oge, %bitcast_convert_type3A_58, %ge3A_60 : vector<1x1024xf32>
    %sqrt3A_62 = math.sqrt %bitcast_convert_type3A_58 : vector<1x1024xf32>
    %eq3A_63 = arith.cmpf oeq, %sqrt3A_62, %sqrt3A : vector<1x1024xf32>
    %and3A_64 = arith.andi %ge3A_61, %eq3A_63 : vector<1x1024xi1>
    %max3A_65 = arith.maximumf %select_n3A_54, %bitcast_convert_type3A_58 : vector<1x1024xf32>
    %select_n3A_66 = arith.select %and3A_64, %max3A_65, %select_n3A_54 : vector<1x1024xi1>, vector<1x1024xf32>
    %add3A_67 = arith.constant 0 : i32
    %add3A_68 = vector.broadcast %add3A_67 : i32 to vector<1x1024xi32>
    %add3A_69 = arith.addi %bitcast_convert_type3A, %add3A_68 : vector<1x1024xi32>
    %bitcast_convert_type3A_70 = tpu.bitcast %add3A_69 : vector<1x1024xi32> -> vector<1x1024xf32>
    %ge3A_71 = arith.constant 0.000000e+00 : f32
    %ge3A_72 = vector.broadcast %ge3A_71 : f32 to vector<1x1024xf32>
    %ge3A_73 = arith.cmpf oge, %bitcast_convert_type3A_70, %ge3A_72 : vector<1x1024xf32>
    %sqrt3A_74 = math.sqrt %bitcast_convert_type3A_70 : vector<1x1024xf32>
    %eq3A_75 = arith.cmpf oeq, %sqrt3A_74, %sqrt3A : vector<1x1024xf32>
    %and3A_76 = arith.andi %ge3A_73, %eq3A_75 : vector<1x1024xi1>
    %max3A_77 = arith.maximumf %select_n3A_66, %bitcast_convert_type3A_70 : vector<1x1024xf32>
    %select_n3A_78 = arith.select %and3A_76, %max3A_77, %select_n3A_66 : vector<1x1024xi1>, vector<1x1024xf32>
    %add3A_79 = arith.constant 1 : i32
    %add3A_80 = vector.broadcast %add3A_79 : i32 to vector<1x1024xi32>
    %add3A_81 = arith.addi %bitcast_convert_type3A, %add3A_80 : vector<1x1024xi32>
    %bitcast_convert_type3A_82 = tpu.bitcast %add3A_81 : vector<1x1024xi32> -> vector<1x1024xf32>
    %ge3A_83 = arith.constant 0.000000e+00 : f32
    %ge3A_84 = vector.broadcast %ge3A_83 : f32 to vector<1x1024xf32>
    %ge3A_85 = arith.cmpf oge, %bitcast_convert_type3A_82, %ge3A_84 : vector<1x1024xf32>
    %sqrt3A_86 = math.sqrt %bitcast_convert_type3A_82 : vector<1x1024xf32>
    %eq3A_87 = arith.cmpf oeq, %sqrt3A_86, %sqrt3A : vector<1x1024xf32>
    %and3A_88 = arith.andi %ge3A_85, %eq3A_87 : vector<1x1024xi1>
    %max3A_89 = arith.maximumf %select_n3A_78, %bitcast_convert_type3A_82 : vector<1x1024xf32>
    %select_n3A_90 = arith.select %and3A_88, %max3A_89, %select_n3A_78 : vector<1x1024xi1>, vector<1x1024xf32>
    %add3A_91 = arith.constant 2 : i32
    %add3A_92 = vector.broadcast %add3A_91 : i32 to vector<1x1024xi32>
    %add3A_93 = arith.addi %bitcast_convert_type3A, %add3A_92 : vector<1x1024xi32>
    %bitcast_convert_type3A_94 = tpu.bitcast %add3A_93 : vector<1x1024xi32> -> vector<1x1024xf32>
    %ge3A_95 = arith.constant 0.000000e+00 : f32
    %ge3A_96 = vector.broadcast %ge3A_95 : f32 to vector<1x1024xf32>
    %ge3A_97 = arith.cmpf oge, %bitcast_convert_type3A_94, %ge3A_96 : vector<1x1024xf32>
    %sqrt3A_98 = math.sqrt %bitcast_convert_type3A_94 : vector<1x1024xf32>
    %eq3A_99 = arith.cmpf oeq, %sqrt3A_98, %sqrt3A : vector<1x1024xf32>
    %and3A_100 = arith.andi %ge3A_97, %eq3A_99 : vector<1x1024xi1>
    %max3A_101 = arith.maximumf %select_n3A_90, %bitcast_convert_type3A_94 : vector<1x1024xf32>
    %select_n3A_102 = arith.select %and3A_100, %max3A_101, %select_n3A_90 : vector<1x1024xi1>, vector<1x1024xf32>
    %add3A_103 = arith.constant 3 : i32
    %add3A_104 = vector.broadcast %add3A_103 : i32 to vector<1x1024xi32>
    %add3A_105 = arith.addi %bitcast_convert_type3A, %add3A_104 : vector<1x1024xi32>
    %bitcast_convert_type3A_106 = tpu.bitcast %add3A_105 : vector<1x1024xi32> -> vector<1x1024xf32>
    %ge3A_107 = arith.constant 0.000000e+00 : f32
    %ge3A_108 = vector.broadcast %ge3A_107 : f32 to vector<1x1024xf32>
    %ge3A_109 = arith.cmpf oge, %bitcast_convert_type3A_106, %ge3A_108 : vector<1x1024xf32>
    %sqrt3A_110 = math.sqrt %bitcast_convert_type3A_106 : vector<1x1024xf32>
    %eq3A_111 = arith.cmpf oeq, %sqrt3A_110, %sqrt3A : vector<1x1024xf32>
    %and3A_112 = arith.andi %ge3A_109, %eq3A_111 : vector<1x1024xi1>
    %max3A_113 = arith.maximumf %select_n3A_102, %bitcast_convert_type3A_106 : vector<1x1024xf32>
    %select_n3A_114 = arith.select %and3A_112, %max3A_113, %select_n3A_102 : vector<1x1024xi1>, vector<1x1024xf32>
    %add3A_115 = arith.constant 4 : i32
    %add3A_116 = vector.broadcast %add3A_115 : i32 to vector<1x1024xi32>
    %add3A_117 = arith.addi %bitcast_convert_type3A, %add3A_116 : vector<1x1024xi32>
    %bitcast_convert_type3A_118 = tpu.bitcast %add3A_117 : vector<1x1024xi32> -> vector<1x1024xf32>
    %ge3A_119 = arith.constant 0.000000e+00 : f32
    %ge3A_120 = vector.broadcast %ge3A_119 : f32 to vector<1x1024xf32>
    %ge3A_121 = arith.cmpf oge, %bitcast_convert_type3A_118, %ge3A_120 : vector<1x1024xf32>
    %sqrt3A_122 = math.sqrt %bitcast_convert_type3A_118 : vector<1x1024xf32>
    %eq3A_123 = arith.cmpf oeq, %sqrt3A_122, %sqrt3A : vector<1x1024xf32>
    %and3A_124 = arith.andi %ge3A_121, %eq3A_123 : vector<1x1024xi1>
    %max3A_125 = arith.maximumf %select_n3A_114, %bitcast_convert_type3A_118 : vector<1x1024xf32>
    %select_n3A_126 = arith.select %and3A_124, %max3A_125, %select_n3A_114 : vector<1x1024xi1>, vector<1x1024xf32>
    %gt3A = arith.constant 0.000000e+00 : f32
    %gt3A_127 = vector.broadcast %gt3A : f32 to vector<1x1024xf32>
    %gt3A_128 = arith.cmpf ogt, %sqrt3A, %gt3A_127 : vector<1x1024xf32>
    %jit3A = arith.constant 0.000000e+00 : f32
    %broadcast_in_dim3A_129 = vector.broadcast %jit3A : f32 to vector<1x1024xf32>
    %select_n3A_130 = arith.select %gt3A_128, %select_n3A_126, %broadcast_in_dim3A_129 : vector<1x1024xi1>, vector<1x1024xf32>
    %iota3A = tpu.iota {dimensions = array<i32: 0>} : vector<1024x1024xi32>
    %le3A = vector.broadcast %select_n3A_130 : vector<1x1024xf32> to vector<1024x1024xf32>
    %le3A_131 = arith.cmpf ole, %sub3A, %le3A : vector<1024x1024xf32>
    %jit3A_132 = arith.constant 1024 : i32
    %broadcast_in_dim3A_133 = vector.broadcast %jit3A_132 : i32 to vector<1024x1024xi32>
    %select_n3A_134 = arith.select %le3A_131, %iota3A, %broadcast_in_dim3A_133 : vector<1024x1024xi1>, vector<1024x1024xi32>
    %reduce_min3A_135 = arith.constant dense<2147483647> : vector<1024xi32>
    %reduce_min3A_136 = vector.multi_reduction <minsi>, %select_n3A_134, %reduce_min3A_135 [0] : vector<1024x1024xi32> to vector<1024xi32>
    %reshape3A = vector.shape_cast %reduce_min3A_136 : vector<1024xi32> to vector<1x1024xi32>
    %swap3A = arith.constant 0 : index
    %swap3A_137 = arith.constant 0 : index
    %swap3A_138 = arith.constant 0 : index
    %swap3A_139 = vector.load %arg3[%swap3A, %swap3A_137, %swap3A_138] : memref<1x1x1024xi32, #tpu.memory_space<vmem>>, vector<1x1x1024xi32>
    %swap3A_140 = vector.shape_cast %swap3A_139 : vector<1x1x1024xi32> to vector<1x1024xi32>
    %swap3A_141 = vector.shape_cast %reshape3A : vector<1x1024xi32> to vector<1x1x1024xi32>
    tpu.vector_store %arg3[%swap3A, %swap3A_137, %swap3A_138], %swap3A_141 {strides = array<i32>} : memref<1x1x1024xi32, #tpu.memory_space<vmem>>, vector<1x1x1024xi32>,
    return
  }
  func.func @transform_0(%arg0: i32) -> (i32, i32, i32) {
    %c0_i32 = arith.constant 0 : i32
    %c0_i32_0 = arith.constant 0 : i32
    %c0_i32_1 = arith.constant 0 : i32
    return %arg0, %c0_i32, %c0_i32_0 : i32, i32, i32
  }
  func.func @transform_1(%arg0: i32) -> (i32, i32) {
    %c0_i32 = arith.constant 0 : i32
    %c0_i32_0 = arith.constant 0 : i32
    %c0_i32_1 = arith.constant 0 : i32
    return %c0_i32, %c0_i32_0 : i32, i32
  }
  func.func @transform_2(%arg0: i32) -> (i32, i32, i32) {
    %c0_i32 = arith.constant 0 : i32
    %c0_i32_0 = arith.constant 0 : i32
    %c0_i32_1 = arith.constant 0 : i32
    return %arg0, %c0_i32, %c0_i32_0 : i32, i32, i32
  }
}

module attributes {stable_mosaic.version = 14 : i64} {
  func.func @_onehot_body(%arg0: i32, %arg1: memref<1x1x1024xi32, #tpu.memory_space<vmem>>, %arg2: memref<1024x64xf32, #tpu.memory_space<vmem>>, %arg3: memref<1x64x1024xf32, #tpu.memory_space<vmem>>) attributes {dimension_semantics = [#tpu.dimension_semantics<arbitrary>], iteration_bounds = array<i64: 8>, scalar_prefetch = 0 : i64, scratch_operands = 0 : i64, tpu.core_type = #tpu.core_type<tc>, window_params = [{transform_indices = @transform_0, window_bounds = array<i64: 1, 1, 1024>}, {pipeline_mode = #tpu.pipeline_mode<synchronous>, transform_indices = @transform_1, window_bounds = array<i64: 1024, 64>}, {transform_indices = @transform_2, window_bounds = array<i64: 1, 64, 1024>}]} {
    %get3A = arith.constant 0 : index
    %get3A_0 = arith.constant 0 : index
    %get3A_1 = arith.constant 0 : index
    %get3A_2 = vector.load %arg1[%get3A, %get3A_0, %get3A_1] : memref<1x1x1024xi32, #tpu.memory_space<vmem>>, vector<1x1x1024xi32>
    %reshape3A = vector.shape_cast %get3A_2 : vector<1x1x1024xi32> to vector<1024xi32>
    %get3A_3 = arith.constant 0 : index
    %get3A_4 = arith.constant 0 : index
    %get3A_5 = vector.load %arg2[%get3A_3, %get3A_4] : memref<1024x64xf32, #tpu.memory_space<vmem>>, vector<1024x64xf32>
    %iota3A = tpu.iota {dimensions = array<i32: 0>} : vector<1024x1024xi32>
    %broadcast_in_dim3A = vector.shape_cast %reshape3A : vector<1024xi32> to vector<1x1024xi32>
    %eq3A = vector.broadcast %broadcast_in_dim3A : vector<1x1024xi32> to vector<1024x1024xi32>
    %eq3A_6 = arith.cmpi eq, %iota3A, %eq3A : vector<1024x1024xi32>
    %convert_element_type3A = arith.extui %eq3A_6 : vector<1024x1024xi1> to vector<1024x1024xi32>
    %convert_element_type3A_7 = arith.sitofp %convert_element_type3A : vector<1024x1024xi32> to vector<1024x1024xf32>
    %dot_general3A = arith.constant dense<0.000000e+00> : vector<64x1024xf32>
    %dot_general3A_8 = tpu.matmul %get3A_5, %convert_element_type3A_7, %dot_general3A {dimension_numbers = #tpu.dot_dimension_numbers<[0], [0], [1], [1], [0, 1, 1, 1], [], []>, precision = #tpu.contract_precision<fp32>, transpose_lhs_hint = false} : vector<1024x64xf32>, vector<1024x1024xf32>, vector<64x1024xf32> -> vector<64x1024xf32>
    %swap3A = arith.constant 0 : index
    %swap3A_9 = arith.constant 0 : index
    %swap3A_10 = arith.constant 0 : index
    %swap3A_11 = vector.load %arg3[%swap3A, %swap3A_9, %swap3A_10] : memref<1x64x1024xf32, #tpu.memory_space<vmem>>, vector<1x64x1024xf32>
    %swap3A_12 = vector.shape_cast %swap3A_11 : vector<1x64x1024xf32> to vector<64x1024xf32>
    %swap3A_13 = vector.shape_cast %dot_general3A_8 : vector<64x1024xf32> to vector<1x64x1024xf32>
    tpu.vector_store %arg3[%swap3A, %swap3A_9, %swap3A_10], %swap3A_13 {strides = array<i32>} : memref<1x64x1024xf32, #tpu.memory_space<vmem>>, vector<1x64x1024xf32>,
    return
  }
  func.func @transform_0(%arg0: i32) -> (i32, i32, i32) {
    %add3A = arith.constant 8 : i32
    %add3A_0 = arith.addi %arg0, %add3A : i32
    %c0_i32 = arith.constant 0 : i32
    %c0_i32_1 = arith.constant 0 : i32
    %c0_i32_2 = arith.constant 0 : i32
    return %add3A_0, %c0_i32, %c0_i32_1 : i32, i32, i32
  }
  func.func @transform_1(%arg0: i32) -> (i32, i32) {
    %c0_i32 = arith.constant 0 : i32
    %c0_i32_0 = arith.constant 0 : i32
    %c0_i32_1 = arith.constant 0 : i32
    return %c0_i32, %c0_i32_0 : i32, i32
  }
  func.func @transform_2(%arg0: i32) -> (i32, i32, i32) {
    %c0_i32 = arith.constant 0 : i32
    %c0_i32_0 = arith.constant 0 : i32
    %c0_i32_1 = arith.constant 0 : i32
    return %arg0, %c0_i32, %c0_i32_0 : i32, i32, i32
  }
}

</mosaic_0001>

<sc_bundles>
// kernel: kernel.5.cloned.1.call-start
scs
__scs_entry_jumppad:
0x0: {  	(pc) =	sbr.rel $0x88, $3  }
0x1: {  	(tag) =	ssettag $0x0;
	lr =	simm.s32 $0x1  }
0x2: {  	[smem:$0x3F9F] =	sst lr;
	_ =	strace $0xD0000000  }
0x3: {  	_ = 	snop  }
0x4: {  	_ = 	snop  }
0x5: {  	_ = 	snop  }
0x6: {  	_ = 	snop  }
0x7: {  	_ = 	snop  }
__scs_overlays_trampoline_lowered:
0x8: {  	[smem:$0x3FAE] =	sst s0  }
0x9: {  	[smem:$0x3FAF] =	sst s1  }
0xa: {  	[smem:$0x3FB0] =	sst s2  }
0xb: {  	[smem:$0x3FB1] =	sst s3  }
0xc: {  	[smem:$0x3FB2] =	sst s4  }
0xd: {  	[smem:$0x3FB3] =	sst s5  }
0xe: {  	[smem:$0x3FB4] =	sst s6  }
0xf: {  	[smem:$0x3FB5] =	sst s7  }
0x10: {  	[smem:$0x3FB6] =	sst s8  }
0x11: {  	[smem:$0x3FB7] =	sst s9;
	s0 =	simm.s32 @!p0 $0x0  }
0x12: {  	s1 =	sld [smem:$0x3F9D];
	s0 =	simm.s32 @p0 $0x1  }
0x13: {  	[smem:$0x3FB8] =	sst s0;
	s0 =	simm.s32 @!p1 $0x0  }
0x14: {  	s2 =	sld [smem:$0x3F9C];
	s0 =	simm.s32 @p1 $0x1  }
0x15: {  	[smem:$0x3FB9] =	sst s0;
	s0 =	simm.s32 @!p2 $0x0  }
0x16: {  	s3 =	sld [smem:$0x3FDB];
	s0 =	simm.s32 @p2 $0x1  }
0x17: {  	s4 =	simm.s32 $0x1BF5;
	[smem:$0x3FBB] =	sst s0  }
0x18: {  	s0 =	sld [smem:$0x3F9E];
	_ =	swait.ge [sflag:s4], $0x0  }
0x19: {  	s7 =	sld [smem:$0x3F9F]  }
0x1a: {  	s8 =	sadd.s32 $0xFFFFE003, lr  }
0x1b: {  	s9 =	sadd.s32 $0xFFFFFEF7, lr;
	s5 =	simm.s32 $0xFFFFFFFF;
	p2 =	slt.u32 s8, $0xFFFFF086  }
0x1c: {  	p1 =	slt.u32 s9, $0xF7A;
	s5 =	simm.s32 @!p2 $0x0  }
0x1d: {  	s5 =	simm.s32 @p1 $0x1;
	p0 =	seq.s32 s7, s2  }
0x1e: {  	s7 =	smul.u32 @!p0 $0xF7A, s2;
	p2 =	seq.s32 @!p0 s5, $0x0  }
0x1f: {  	s9 =	smul.u32 $0xF7A, s1;
	s8 =	simm.s32 @!p0 $0x1BF5;
	p2 =	por !p2, p0  }
0x20: {  	[sflag:s8] =	ssyncset.s32 @!p0 $0xFFFFF086;
	s6 =	sadd.s32 @!p0 s3, s7;
	s7 =	simm.s32 @!p0 $0x108  }
0x21: {  	s3 =	sadd.s32 s3, s9;
	s6 =	sadd.s32 @!p0 $0x88, s6;
	s7 =	simm.s32 @p2 $0x1082  }
0x22: {  	[simem:s7], [sflag:s8] =	dma.local @!p0 [hbm:s6], $0xF7A  }
0x23: {  	s9 =	sor.u32 $0xD0000000, s2;
	s6 =	simm.s32 $0x108;
	_ =	swait.ge @!p0 [sflag:s8], $0x0  }
0x24: {  	s3 =	sadd.s32 $0x88, s3;
	s6 =	simm.s32 @!p1 $0x1082;
	[sflag:s4] =	ssyncset.s32 $0xFFFFF086  }
0x25: {  	[simem:s6], [sflag:s4] =	dma.local [hbm:s3], $0xF7A  }
0x26: {  	[smem:$0x3F9F] =	sst s1;
	(tag) =	ssettag s2;
	_ =	strace s9  }
0x27: {  	s1 =	sld [smem:$0x3FAF]  }
0x28: {  	s2 =	sld [smem:$0x3FB0]  }
0x29: {  	s4 =	sld [smem:$0x3FB2]  }
0x2a: {  	p0 =	seq.s32 s5, $0x0;
	s5 =	sld [smem:$0x3FB3]  }
0x2b: {  	s6 =	sld [smem:$0x3FB4]  }
0x2c: {  	s7 =	sld [smem:$0x3FB5]  }
0x2d: {  	s3 =	simm.s32 $0x108;
	s8 =	sld [smem:$0x3FB6]  }
0x2e: {  	s3 =	simm.s32 @!p0 $0x1082;
	s9 =	sld [smem:$0x3FB7]  }
0x2f: {  	lr =	sadd.s32 s0, s3;
	s0 =	sld [smem:$0x3FAE]  }
0x30: {  	s3 =	sld [smem:$0x3FB1]  }
0x31: {  	[smem:$0x3FBA] =	sst s10  }
0x32: {  	s10 =	sld [smem:$0x3FB8];
	_ =	sdelay $0x3  }
0x33: {  	p0 =	seq.s32 s10, $0x1;
	s10 =	sld [smem:$0x3FBA];
	_ =	sdelay $0x3  }
0x34: {  	[smem:$0x3FBA] =	sst s10  }
0x35: {  	s10 =	sld [smem:$0x3FB9];
	_ =	sdelay $0x3  }
0x36: {  	p1 =	seq.s32 s10, $0x1;
	s10 =	sld [smem:$0x3FBA];
	_ =	sdelay $0x3  }
0x37: {  	[smem:$0x3FBA] =	sst s10  }
0x38: {  	s10 =	sld [smem:$0x3FBB]  }
0x39: {  	_ = 	snop;
	(pc) =	sbr.ind lr, $3  }
0x3a: {  	_ = 	snop  }
0x3b: {  	_ = 	snop  }
0x3c: {  	p2 =	seq.s32 s10, $0x1;
	s10 =	sld [smem:$0x3FBA]  }
0x3d: {  	_ =	shalt  }
0x3e: {  	_ =	shalt  }
0x3f: {  	_ =	shalt  }
0x40: {  	_ =	shalt  }
0x41: {  	_ =	shalt  }
0x42: {  	_ =	shalt  }
0x43: {  	_ =	shalt  }
0x44: {  	_ =	shalt  }
0x45: {  	_ =	shalt  }
0x46: {  	_ =	shalt  }
0x47: {  	_ =	shalt  }
0x48: {  	_ =	shalt  }
0x49: {  	_ =	shalt  }
0x4a: {  	_ =	shalt  }
0x4b: {  	_ =	shalt  }
0x4c: {  	_ =	shalt  }
0x4d: {  	_ =	shalt  }
0x4e: {  	_ =	shalt  }
0x4f: {  	_ =	shalt  }
0x50: {  	_ =	shalt  }
0x51: {  	_ =	shalt  }
0x52: {  	_ =	shalt  }
0x53: {  	_ =	shalt  }
0x54: {  	_ =	shalt  }
0x55: {  	_ =	shalt  }
0x56: {  	_ =	shalt  }
0x57: {  	_ =	shalt  }
0x58: {  	_ =	shalt  }
0x59: {  	_ =	shalt  }
0x5a: {  	_ =	shalt  }
0x5b: {  	_ =	shalt  }
0x5c: {  	_ =	shalt  }
0x5d: {  	_ =	shalt  }
0x5e: {  	_ =	shalt  }
0x5f: {  	_ =	shalt  }
0x60: {  	_ =	shalt  }
0x61: {  	_ =	shalt  }
0x62: {  	_ =	shalt  }
0x63: {  	_ =	shalt  }
0x64: {  	_ =	shalt  }
0x65: {  	_ =	shalt  }
0x66: {  	_ =	shalt  }
0x67: {  	_ =	shalt  }
0x68: {  	_ =	shalt  }
0x69: {  	_ =	shalt  }
0x6a: {  	_ =	shalt  }
0x6b: {  	_ =	shalt  }
0x6c: {  	_ =	shalt  }
0x6d: {  	_ =	shalt  }
0x6e: {  	_ =	shalt  }
0x6f: {  	_ =	shalt  }
0x70: {  	_ =	shalt  }
0x71: {  	_ =	shalt  }
0x72: {  	_ =	shalt  }
0x73: {  	_ =	shalt  }
0x74: {  	_ =	shalt  }
0x75: {  	_ =	shalt  }
0x76: {  	_ =	shalt  }
0x77: {  	_ =	shalt  }
0x78: {  	_ =	shalt  }
0x79: {  	_ =	shalt  }
0x7a: {  	_ =	shalt  }
0x7b: {  	_ =	shalt  }
0x7c: {  	_ =	shalt  }
0x7d: {  	_ =	shalt  }
0x7e: {  	_ =	shalt  }
0x7f: {  	_ =	shalt  }
0x80: {  	_ =	shalt  }
0x81: {  	_ =	shalt  }
0x82: {  	_ =	shalt  }
0x83: {  	_ =	shalt  }
0x84: {  	_ =	shalt  }
0x85: {  	_ =	shalt  }
0x86: {  	_ =	shalt  }
0x87: {  	_ =	shalt  }
.Lfunc_end0:
.L_simem_size_0:
called_computation_lowered:
.L_overlay_start_0:
0x88: {  	s2 =	sld [smem:$0x3FD9]  }
0x89: {  	s3 =	sld [smem:$0x3FFE];
	_ =	sdelay $0x1  }
0x8a: {  	s1 =	srdreg.scid  }
0x8b: {  	s0 =	sand.u32 $0x1, s1  }
0x8c: {  	s16 =	sshll.u32 s0, $0xA;
	s2 =	sadd.s32 s3, s2  }
0x8d: {  	s2 =	sadd.s32 s2, s16  }
0x8e: {  	[smem:$0x3FC6] =	sst s2  }
0x8f: {  	_ = 	snop  }
0x90: {  	(tm) =	ssettm $0x1  }
0x91: {  	s17 =	sld [smem:$0x3FFB];
	_ =	sdelay $0x3  }
0x92: {  	_ =	strace s17  }
0x93: {  	s2 =	sld [smem:$0x3FFC];
	_ =	sdelay $0x3  }
0x94: {  	_ =	strace s2  }
0x95: {  	s2 =	sld [smem:$0x3FFD];
	_ =	sdelay $0x3  }
0x96: {  	_ =	strace s2  }
0x97: {  	_ =	strace $0x8FFFFFFF  }
0x98: {  	s18 =	sld [smem:$0x3FDB];
	_ =	sdelay $0x1  }
0x99: {  	s19 =	simm.s32 $_scs_section_size  }
0x9a: {  	s4 =	simm.s32 $_size__tile_overlayer_lowered;
	s5 =	simm.s32 $_tile_overlayer_lowered  }
0x9b: {  	s22 =	simm.s32 $0x1BFF;
	s21 =	sshll.u32 s5, $0x1;
	s2 =	sadd.s32 s19, s18  }
0x9c: {  	s6 =	simm.s32 $0x0;
	s20 =	sshll.u32 s4, $0x1;
	s4 =	sadd.s32 s21, s2  }
0x9d: {  	[timem:s6], [sflag:s22] =	dma.local [hbm:s4], s20  }
0x9e: {  	_ =	swait.ge [sflag:s22], s20  }
0x9f: {  	s3 =	ssub.s32 $0x0, s20;
	[sflag:s22] =	ssyncset.done $0x0  }
0xa0: {  	[sflag:s22] =	ssyncadd.s32 s3;
	_ =	sdelay $0x1  }
0xa1: {  	s23 =	simm.s32 $0x1B8B  }
0xa2: {  	_ =	swait.ge [sflag:s23], $0x1  }
0xa3: {  	[sflag:s23] =	ssyncset.done $0x0  }
0xa4: {  	s25 =	simm.s32 $0x1B8E;
	s24 =	sld [smem:$0x3FFE];
	[sflag:s23] =	ssyncadd.s32 $0xFFFFFFFF  }
0xa5: {  	s26 =	simm.s32 $execute0_lowered;
	[smem:$0x3FD2] =	sst s25  }
0xa6: {  	s4 =	sshll.u32 s26, $0x1;
	_ =	strace $0x80000046;
	[dreg:$0x1] =	wrdreg $0xFFFFFFFF  }
0xa7: {  	s28 =	simm.s32 $_size_execute0_lowered;
	s2 =	sadd.s32 s2, s4;
	[dreg:$0x0] =	wrdreg $0x0  }
0xa8: {  	s4 =	sshll.u32 s28, $0x1;
	[dreg:$0x2] =	wrdreg s2  }
0xa9: {  	[dreg:$0x3] =	wrdreg s4  }
0xaa: {  	[dreg:$0x4] =	wrdreg $0xC0  }
0xab: {  	_ =	task [dreg:s6], $0x5FFFF  }
0xac: {  	[dreg:$0x1] =	wrdreg $0xFFFFFFFF  }
0xad: {  	[dreg:$0x0] =	wrdreg $0x60  }
0xae: {  	[dreg:$0x2] =	wrdreg s24  }
0xaf: {  	[dreg:$0x3] =	wrdreg $0x9  }
0xb0: {  	_ =	task.clear_ibuf [dreg:s6], $0x4FFFF;
	_ =	strace $0x90000046  }
0xb1: {  	s29 =	simm.s32 $0x9;
	_ =	strace $0x80000048  }
0xb2: {  	_ =	swait.ge [sflag:s29], $0x1  }
0xb3: {  	[sflag:s29] =	ssyncadd.s32 $0xFFFFFFFF  }
0xb4: {  	_ =	strace $0x90000048  }
0xb5: {  	_ =	sfence  }
0xb6: {  	s30 =	sld [smem:$0x0];
	_ =	sdelay $0x2  }
0xb7: {  	s31 =	sshll.u32 s1, $0xD;
	s1 =	sshrl.u32 s1, $0x2  }
0xb8: {  	s3 =	sand.u32 $0x4000, s31;
	s1 =	sadd.s32 s1, s30  }
0xb9: {  	s0 =	sor.u32 s3, s0;
	s1 =	sshll.u32 s1, $0x11  }
0xba: {  	s0 =	sor.u32 s1, s0  }
0xbb: {  	s0 =	sadd.s32 $0x8F2B, s0  }
0xbc: {  	[sflag:s0] =	ssyncadd.remote.s32 $0x1  }
0xbd: {  	_ =	sfence.sel $0xFFFF  }
0xbe: {  	[dreg:$0x0] =	wrdreg $0xFFFFFFFF;
	(pc) =	sbr.abs _section_cstart, $3  }
0xbf: {  	[dreg:$0x1] =	wrdreg $0xFFFFFFFF  }
0xc0: {  	_ =	task.clear_ibuf [dreg:s6], $0x2FFFF;
	_ =	strace $0x9FFFFFFF  }
0xc1: {  	(tm) =	ssettm $0x7FFFFFFF  }
tec
execute0_lowered:
.L_overlay_start_1:
0x0: {  	(tag) =	ssettag $0x1  }
0x1: {  	s1 =	srdreg.scid;
	s0 =	stileid.u32  }
0x2: {  	s4 =	sand.u32 $0x1, s1;
	s29 =	sshll.u32 s0, $0x1  }
0x3: {  	v0 =	vlaneseq.u32;
	s30 =	sshll.u32 s0, $0x7;
	s5 =	sor.u32 s4, s29  }
0x4: {  	v1 =	vmul.u32 $0x4, v0;
	s1 =	sor.u32 s30, s5  }
0x5: {  	s1 =	sand.u32 $0x703, s1  }
0x6: {  	v2 =	vor.u32 s1, v1  }
0x7: {  	[tilespmem:$0x1FE30] =	vst v2;
	v2 =	vor.u32 $0x40, v1  }
0x8: {  	v2 =	vor.u32 s1, v2  }
0x9: {  	[tilespmem:$0x1FE40] =	vst v2;
	v2 =	vor.u32 $0x80, v1;
	v1 =	vor.u32 $0xC0, v1  }
0xa: {  	v1 =	vor.u32 s1, v1  }
0xb: {  	v51 =	vmul.u32 $0x41, v0;
	v2 =	vor.u32 s1, v2;
	[tilespmem:$0x1FE60] =	vst v1;
	v1 =	vimm.s32 $0x7654321  }
0xc: {  	v5 =	vand.u32 $0x7, v0;
	[tilespmem:$0x1FE50] =	vst v2;
	v2 =	vimm.s32 $0x10765432;
	v1 =	vunpack.c.l.s4.s8 v1  }
0xd: {  	v3 =	vadd.s32 $0x1, v51;
	v0 =	vunpack.c.l.s4.s8 v2;
	v2 =	vimm.s32 $0x21076543  }
0xe: {  	[tilespmem:$0x1FE70] =	vst v3;
	v7 =	vunpack.c.0.s8.s32 v1;
	v1 =	vunpack.c.l.s4.s8 v2;
	v2 =	vadd.s32 $0x2, v51  }
0xf: {  	s6 =	rddreg [dreg:$0x0];
	s2 =	simm.s32 $0x0;
	v9 =	vunpack.c.0.s8.s32 v0;
	v0 =	vadd.s32 $0x3, v51;
	[tilespmem:$0x1FE80] =	vst v2  }
0x10: {  	[smem:$0x7FF] =	sst s2;
	[tilespmem:$0x1FE90] =	vst v0  }
0x11: {  	v31 =	vadd.s32 $0x30, v51;
	s1 =	rddreg [dreg:$0x1];
	_ =	strace $0x80000047;
	[tilespmem:$0x1FEB0] =	vst v51  }
0x12: {  	v30 =	vadd.s32 $0x2F, v51;
	[tilespmem:$0x1FED0] =	vst v31  }
0x13: {  	v29 =	vadd.s32 $0x2E, v51;
	[tilespmem:$0x1FEE0] =	vst v30  }
0x14: {  	v14 =	vadd.s32 $0x4, v51;
	v18 =	vadd.s32 $0x5, v51;
	v28 =	vadd.s32 $0x2D, v51;
	[tilespmem:$0x1FEF0] =	vst v29  }
0x15: {  	v20 =	vadd.s32 $0x7, v51;
	v23 =	vadd.s32 $0x9, v51;
	v27 =	vadd.s32 $0x2C, v51;
	[tilespmem:$0x1FF00] =	vst v28  }
0x16: {  	v63 =	vadd.s32 $0xA, v51;
	v33 =	vadd.s32 $0xB, v51;
	v36 =	vadd.s32 $0x2B, v51;
	[tilespmem:$0x1FF10] =	vst v27  }
0x17: {  	v22 =	vadd.s32 $0xC, v51;
	v21 =	vadd.s32 $0xD, v51;
	v35 =	vadd.s32 $0x2A, v51;
	[tilespmem:$0x1FF20] =	vst v36  }
0x18: {  	v16 =	vadd.s32 $0xE, v51;
	v12 =	vadd.s32 $0xF, v51;
	v34 =	vadd.s32 $0x29, v51;
	[tilespmem:$0x1FF30] =	vst v35  }
0x19: {  	v26 =	vadd.s32 $0x10, v51;
	v25 =	vadd.s32 $0x12, v51;
	v52 =	vadd.s32 $0x28, v51;
	[tilespmem:$0x1FF40] =	vst v34  }
0x1a: {  	v4 =	vadd.s32 $0x13, v51;
	v42 =	vadd.s32 $0x14, v51;
	v53 =	vadd.s32 $0x27, v51;
	[tilespmem:$0x1FF50] =	vst v52  }
0x1b: {  	v32 =	vadd.s32 $0x15, v51;
	v43 =	vadd.s32 $0x16, v51;
	v8 =	vadd.s32 $0x1E, v51;
	[tilespmem:$0x1FF60] =	vst v53  }
0x1c: {  	v24 =	vadd.s32 $0x17, v51;
	v6 =	vadd.s32 $0x18, v51;
	v37 =	vadd.s32 $0x19, v51;
	[tilespmem:$0x1FF70] =	vst v8  }
0x1d: {  	v38 =	vadd.s32 $0x1A, v51;
	v39 =	vadd.s32 $0x1B, v51;
	v40 =	vadd.s32 $0x1C, v51;
	[tilespmem:$0x1FF80] =	vst v14  }
0x1e: {  	v41 =	vadd.s32 $0x1D, v51;
	v10 =	vadd.s32 $0x1F, v51;
	v44 =	vadd.s32 $0x20, v51;
	[tilespmem:$0x1FF90] =	vst v18  }
0x1f: {  	s11 =	simm.s32 $0x2100;
	v45 =	vadd.s32 $0x21, v51;
	v46 =	vadd.s32 $0x22, v51;
	v2 =	vimm.s32 $0x54321076;
	[tilespmem:$0x1FFB0] =	vst v20  }
0x20: {  	s9 =	simm.s32 $0x1;
	s10 =	simm.s32 $0x100;
	v3 =	vimm.s32 $0x65432107;
	v0 =	vimm.s32 $0x32107654;
	v2 =	vunpack.c.l.s4.s8 v2;
	[tilespmem:$0x1FFD0] =	vst v63  }
0x21: {  	s12 =	simm.s32 $0x2;
	s13 =	simm.s32 $0x4100;
	s14 =	simm.s32 $0x40;
	v11 =	vunpack.c.0.s8.s32 v1;
	v0 =	vunpack.c.l.s4.s8 v0;
	v1 =	vimm.s32 $0x43210765;
	[tilespmem:$0x1FFE0] =	vst v33  }
0x22: {  	s15 =	simm.s32 $0xC200;
	s16 =	simm.s32 $0x8200;
	s17 =	simm.s32 $0x3;
	[tilespmem:$0x1FFF0] =	vst v22;
	v1 =	vunpack.c.l.s4.s8 v1;
	v17 =	vunpack.c.0.s8.s32 v2;
	v2 =	vadd.s32 $0x31, v51  }
0x23: {  	s18 =	simm.s32 $0x0;
	s7 =	ssub.s32 $0x2, s4;
	s5 =	sshll.u32 s5, $0x5;
	v13 =	vunpack.c.0.s8.s32 v0;
	v0 =	vunpack.c.l.s4.s8 v3;
	[tilespmem:$0x1FEA0] =	vst v2;
	v2 =	vadd.s32 $0x32, v51  }
0x24: {  	s3 =	sadd.s32 $0x400, s6;
	s31 =	sshrl.u32 s7, $0x1;
	v47 =	vadd.s32 $0x23, v51;
	s8 =	sadd.s32 s5, s6;
	v15 =	vunpack.c.0.s8.s32 v1;
	v1 =	vadd.s32 $0x6, v51;
	[tilespmem:$0x1FEC0] =	vst v2  }
0x25: {  	s4 =	sadd.s32 $0x2C00, s6;
	v48 =	vadd.s32 $0x24, v51;
	s7 =	ssub.s32 s7, s31;
	s5 =	sadd.s32 $0x2400, s8;
	v19 =	vunpack.c.0.s8.s32 v0;
	v0 =	vadd.s32 $0x8, v51;
	[tilespmem:$0x1FFA0] =	vst v1  }
0x26: {  	v49 =	vadd.s32 $0x25, v51;
	v50 =	vadd.s32 $0x26, v51;
	s6 =	sadd.s32 $0x2410, s8;
	s7 =	smax.u32 s7, $0x1;
	s8 =	simm.s32 $0x80;
	v3 =	vadd.s32 $0x11, v51;
	[tilespmem:$0x1FFC0] =	vst v0  }
.LBB2_1:
0x27: {  	v31 =	vmov v0;
	v0 =	vld [tilespmem:$0x1FE30];
	_ =	sdelay $0x1  }
0x28: {  	[tilespmem:s2], [sflag:$0x1] =	stream.linear.gather [hbm4b:s5+s2], $0x80, $0x38;
	[tilespmem:$0xC240] =	vst v63  }
0x29: {  	_ = 	snop  }
0x2a: {  	[tilespmem:s8], [sflag:$0x1] =	stream.linear.gather [hbm4b:s6+s2], $0x80, $0x38;
	[tilespmem:$0xC240] =	vst v63  }
0x2b: {  	[tilespmem:$0xC200] =	vst v0;
	v0 =	vld [tilespmem:$0x1FE40];
	_ =	sdelay $0x4  }
0x2c: {  	[tilespmem:$0xC210] =	vst v0;
	v0 =	vld [tilespmem:$0x1FE50];
	_ =	sdelay $0x4  }
0x2d: {  	[tilespmem:$0xC220] =	vst v0;
	v0 =	vld [tilespmem:$0x1FE60];
	_ =	sdelay $0x3  }
0x2e: {  	v61 =	vmov v50;
	v50 =	vmov v39;
	v39 =	vmov v26;
	v26 =	vld [tilespmem:$0x1FE90]  }
0x2f: {  	v62 =	vmov v41;
	v41 =	vmov v25;
	v25 =	vld [tilespmem:$0x1FE80];
	[tilespmem:$0xC230] =	vst v0  }
0x30: {  	v57 =	vmov v46;
	v46 =	vmov v24;
	v24 =	vld [tilespmem:$0x1FE70];
	_ =	swait.ge [sflag:s9], $0x80  }
0x31: {  	[sflag:s9] =	ssyncset.done $0x0  }
0x32: {  	[sflag:s9] =	ssyncadd.s32 $0xFFFFFF80  }
0x33: {  	_ =	swait.ge [sflag:s9], $0x80  }
0x34: {  	[sflag:s9] =	ssyncset.done $0x0  }
0x35: {  	[sflag:s9] =	ssyncadd.s32 $0xFFFFFF80  }
0x36: {  	[tilespmem:s10], [sflag:$0x2] =	stream.indirect.gather [hbm4b:s3+s8], $0x40, s2, s8, $0xb8;
	[tilespmem:$0xC240] =	vst v63  }
0x37: {  	_ = 	snop  }
0x38: {  	[tilespmem:s11], [sflag:$0x2] =	stream.indirect.gather [hbm4b:s3+s8], $0x40, s8, s8, $0xb8;
	[tilespmem:$0xC240] =	vst v63  }
0x39: {  	_ =	swait.ge [sflag:s12], $0x2000  }
0x3a: {  	[sflag:s12] =	ssyncset.done $0x0  }
0x3b: {  	[sflag:s12] =	ssyncadd.s32 $0xFFFFE000  }
0x3c: {  	_ =	swait.ge [sflag:s12], $0x2000  }
0x3d: {  	[sflag:s12] =	ssyncset.done $0x0  }
0x3e: {  	s19 =	simm.s32 $0x120;
	[sflag:s12] =	ssyncadd.s32 $0xFFFFE000  }
0x3f: {  	v0 =	vld [tilespmem:s19+$0xFFFFFFE0];
	_ =	sdelay $0x4  }
0x40: {  	[tilespmem:s13+$0x0] =	vst v0  }
0x41: {  	v0 =	vld [tilespmem:s19+$0xFFFFFFF0];
	_ =	sdelay $0x3  }
0x42: {  	s20 =	sand.u32 $0x7FFF, s2  }
0x43: {  	[tilespmem:s20+$0x4110] =	vst v0  }
0x44: {  	v0 =	vld [tilespmem:s19+$0x0];
	_ =	sdelay $0x4  }
0x45: {  	[tilespmem:s20+$0x4120] =	vst v0  }
0x46: {  	v0 =	vld [tilespmem:s19+$0x10];
	_ =	sdelay $0x2  }
0x47: {  	v60 =	vmov v49;
	v59 =	vmov v48  }
0x48: {  	v58 =	vmovc v47;
	v56 =	vmovc v45;
	v55 =	vmov v44;
	v51 =	vmov v40;
	v49 =	vmov v38  }
0x49: {  	v48 =	vmovc v37;
	v45 =	vmovc v43;
	v44 =	vmov v32;
	v2 =	vmov v42;
	v34 =	vmov v33;
	s19 =	simm.s32 $0x160;
	[tilespmem:s20+$0x4130] =	vst v0  }
0x4a: {  	v32 =	vmovc v23;
	v30 =	vmovc v20;
	v29 =	vmov v1;
	v28 =	vmov v18;
	v27 =	vmov v14;
	s22 =	simm.s32 $0x82;
	s21 =	simm.s32 $0x4100;
	s20 =	simm.s32 $0x41;
	v0 =	vld [tilespmem:s19+$0xFFFFFFE0]  }
.LBB2_2:
0x4b: {  	p0 =	sne.s32 s22, $0x40BF;
	_ =	sdelay $0x2  }
0x4c: {  	s21 =	sadd.s32 $0x41, s21  }
0x4d: {  	[tilespmem:s21+$0x0] =	vst v0  }
0x4e: {  	v0 =	vld [tilespmem:s19+$0xFFFFFFF0];
	_ =	sdelay $0x3  }
0x4f: {  	s23 =	sand.u32 $0x7FFF, s20;
	s20 =	smov.u32 s22  }
0x50: {  	[tilespmem:s23+$0x4110] =	vst v0  }
0x51: {  	v0 =	vld [tilespmem:s19+$0x0];
	_ =	sdelay $0x4  }
0x52: {  	[tilespmem:s23+$0x4120] =	vst v0  }
0x53: {  	v0 =	vld [tilespmem:s19+$0x10];
	_ =	sdelay $0x1  }
.Ltmp0:
0x54: {  	(pc) =	sbr.rel @p0 .LBB2_2-.Ltmp0, $3  }
0x55: {  	_ =	sdelay $0x1  }
0x56: {  	s19 =	sadd.s32 $0x40, s19;
	[tilespmem:s23+$0x4130] =	vst v0  }
0x57: {  	s22 =	sadd.s32 $0x41, s22;
	v0 =	vld [tilespmem:s19+$0xFFFFFFE0]  }
0x58: {  	_ =	sdelay $0x2  }
0x59: {  	s21 =	sadd.s32 $0x41, s21  }
0x5a: {  	[tilespmem:s21+$0x0] =	vst v0  }
0x5b: {  	v0 =	vld [tilespmem:s19+$0xFFFFFFF0];
	_ =	sdelay $0x3  }
0x5c: {  	s20 =	sand.u32 $0x7FFF, s20  }
0x5d: {  	s30 =	simm.s32 $0x0;
	v23 =	vld [tilespmem:$0x1FEB0];
	[tilespmem:s20+$0x4110] =	vst v0  }
0x5e: {  	v1 =	vmov s30;
	v0 =	vld [tilespmem:s19+$0x0]  }
0x5f: {  	v1 =	vmul.u32 $0x41, v1;
	_ =	sdelay $0x1  }
0x60: {  	v20 =	vbroadcast v1, $0x0;
	_ =	sdelay $0x1  }
0x61: {  	[tilespmem:s20+$0x4120] =	vst v0;
	v0 =	vadd.s32 v23, v20  }
0x62: {  	v1 =	vld [tilespmem:s19+$0x10];
	v0 =	vand.u32 $0xFFFFFFF8, v0  }
0x63: {  	v0 =	vor.u32 v5, v0;
	_ =	sdelay $0x3  }
0x64: {  	[tilespmem:s20+$0x4130] =	vst v1;
	v1 =	vadd.s32 v24, v20  }
0x65: {  	v0 =	vld.idx.msk [tilespmem:v0+s13+$0x0], $0xffff;
	v1 =	vand.u32 $0xFFFFFFF8, v1  }
0x66: {  	v1 =	vor.u32 v7, v1;
	_ =	sdelay $0x2  }
0x67: {  	s19 =	simm.s32 $0xA200  }
0x68: {  	[tilespmem:s19+$0xFFFFE000] =	vst v0;
	v0 =	vadd.s32 v25, v20  }
0x69: {  	v1 =	vld.idx.msk [tilespmem:v1+s13+$0x0], $0xffff;
	v0 =	vand.u32 $0xFFFFFFF8, v0  }
0x6a: {  	v0 =	vor.u32 v9, v0;
	_ =	sdelay $0x3  }
0x6b: {  	[tilespmem:s19+$0xFFFFE100] =	vst v1;
	v1 =	vadd.s32 v26, v20  }
0x6c: {  	v0 =	vld.idx.msk [tilespmem:v0+s13+$0x0], $0xffff;
	v1 =	vand.u32 $0xFFFFFFF8, v1  }
0x6d: {  	v1 =	vor.u32 v11, v1;
	_ =	sdelay $0x3  }
0x6e: {  	[tilespmem:s19+$0xFFFFE200] =	vst v0;
	v0 =	vadd.s32 v27, v20  }
0x6f: {  	v1 =	vld.idx.msk [tilespmem:v1+s13+$0x0], $0xffff;
	v0 =	vand.u32 $0xFFFFFFF8, v0  }
0x70: {  	v0 =	vor.u32 v13, v0;
	_ =	sdelay $0x3  }
0x71: {  	[tilespmem:s19+$0xFFFFE300] =	vst v1;
	v1 =	vadd.s32 v28, v20  }
0x72: {  	v0 =	vld.idx.msk [tilespmem:v0+s13+$0x0], $0xffff;
	v1 =	vand.u32 $0xFFFFFFF8, v1  }
0x73: {  	v1 =	vor.u32 v15, v1;
	_ =	sdelay $0x3  }
0x74: {  	[tilespmem:s19+$0xFFFFE400] =	vst v0;
	v0 =	vadd.s32 v29, v20  }
0x75: {  	v1 =	vld.idx.msk [tilespmem:v1+s13+$0x0], $0xffff;
	v0 =	vand.u32 $0xFFFFFFF8, v0  }
0x76: {  	v0 =	vor.u32 v17, v0;
	_ =	sdelay $0x3  }
0x77: {  	[tilespmem:s19+$0xFFFFE500] =	vst v1;
	v1 =	vadd.s32 v30, v20  }
0x78: {  	v0 =	vld.idx.msk [tilespmem:v0+s13+$0x0], $0xffff;
	v1 =	vand.u32 $0xFFFFFFF8, v1  }
0x79: {  	v1 =	vor.u32 v19, v1;
	_ =	sdelay $0x3  }
0x7a: {  	[tilespmem:s19+$0xFFFFE600] =	vst v0;
	v0 =	vadd.s32 v31, v20  }
0x7b: {  	v1 =	vld.idx.msk [tilespmem:v1+s13+$0x0], $0xffff;
	v0 =	vand.u32 $0xFFFFFFF8, v0  }
0x7c: {  	v0 =	vor.u32 v5, v0;
	_ =	sdelay $0x3  }
0x7d: {  	[tilespmem:s19+$0xFFFFE700] =	vst v1;
	v1 =	vadd.s32 v32, v20  }
0x7e: {  	v0 =	vld.idx.msk [tilespmem:v0+s13+$0x0], $0xffff;
	v1 =	vand.u32 $0xFFFFFFF8, v1  }
0x7f: {  	v1 =	vor.u32 v7, v1;
	_ =	sdelay $0x3  }
0x80: {  	[tilespmem:s19+$0xFFFFE800] =	vst v0;
	v0 =	vadd.s32 v63, v20  }
0x81: {  	v1 =	vld.idx.msk [tilespmem:v1+s13+$0x0], $0xffff;
	v0 =	vand.u32 $0xFFFFFFF8, v0  }
0x82: {  	v0 =	vor.u32 v9, v0;
	_ =	sdelay $0x3  }
0x83: {  	[tilespmem:s19+$0xFFFFE900] =	vst v1;
	v1 =	vadd.s32 v34, v20  }
0x84: {  	v0 =	vld.idx.msk [tilespmem:v0+s13+$0x0], $0xffff;
	v1 =	vand.u32 $0xFFFFFFF8, v1  }
0x85: {  	v1 =	vor.u32 v11, v1;
	_ =	sdelay $0x3  }
0x86: {  	[tilespmem:s19+$0xFFFFEA00] =	vst v0;
	v0 =	vadd.s32 v22, v20  }
0x87: {  	v1 =	vld.idx.msk [tilespmem:v1+s13+$0x0], $0xffff;
	v0 =	vand.u32 $0xFFFFFFF8, v0  }
0x88: {  	v0 =	vor.u32 v13, v0;
	_ =	sdelay $0x3  }
0x89: {  	[tilespmem:s19+$0xFFFFEB00] =	vst v1;
	v1 =	vadd.s32 v21, v20  }
0x8a: {  	v0 =	vld.idx.msk [tilespmem:v0+s13+$0x0], $0xffff;
	v1 =	vand.u32 $0xFFFFFFF8, v1  }
0x8b: {  	v1 =	vor.u32 v15, v1;
	_ =	sdelay $0x3  }
0x8c: {  	[tilespmem:s19+$0xFFFFEC00] =	vst v0;
	v0 =	vadd.s32 v16, v20  }
0x8d: {  	v1 =	vld.idx.msk [tilespmem:v1+s13+$0x0], $0xffff;
	v0 =	vand.u32 $0xFFFFFFF8, v0  }
0x8e: {  	v0 =	vor.u32 v17, v0;
	_ =	sdelay $0x3  }
0x8f: {  	[tilespmem:s19+$0xFFFFED00] =	vst v1;
	v1 =	vadd.s32 v12, v20  }
0x90: {  	v0 =	vld.idx.msk [tilespmem:v0+s13+$0x0], $0xffff;
	v1 =	vand.u32 $0xFFFFFFF8, v1  }
0x91: {  	v1 =	vor.u32 v19, v1;
	_ =	sdelay $0x3  }
0x92: {  	[tilespmem:s19+$0xFFFFEE00] =	vst v0;
	v0 =	vadd.s32 v39, v20  }
0x93: {  	v1 =	vld.idx.msk [tilespmem:v1+s13+$0x0], $0xffff;
	v0 =	vand.u32 $0xFFFFFFF8, v0  }
0x94: {  	v0 =	vor.u32 v5, v0;
	_ =	sdelay $0x3  }
0x95: {  	[tilespmem:s19+$0xFFFFEF00] =	vst v1;
	v1 =	vadd.s32 v3, v20  }
0x96: {  	v0 =	vld.idx.msk [tilespmem:v0+s13+$0x0], $0xffff;
	v1 =	vand.u32 $0xFFFFFFF8, v1  }
0x97: {  	v1 =	vor.u32 v7, v1;
	_ =	sdelay $0x3  }
0x98: {  	[tilespmem:s19+$0xFFFFF000] =	vst v0;
	v0 =	vadd.s32 v41, v20  }
0x99: {  	v1 =	vld.idx.msk [tilespmem:v1+s13+$0x0], $0xffff;
	v0 =	vand.u32 $0xFFFFFFF8, v0  }
0x9a: {  	v0 =	vor.u32 v9, v0;
	_ =	sdelay $0x3  }
0x9b: {  	[tilespmem:s19+$0xFFFFF100] =	vst v1;
	v1 =	vadd.s32 v4, v20  }
0x9c: {  	v0 =	vld.idx.msk [tilespmem:v0+s13+$0x0], $0xffff;
	v1 =	vand.u32 $0xFFFFFFF8, v1  }
0x9d: {  	v1 =	vor.u32 v11, v1;
	_ =	sdelay $0x3  }
0x9e: {  	[tilespmem:s19+$0xFFFFF200] =	vst v0;
	v0 =	vadd.s32 v2, v20  }
0x9f: {  	v1 =	vld.idx.msk [tilespmem:v1+s13+$0x0], $0xffff;
	v0 =	vand.u32 $0xFFFFFFF8, v0  }
0xa0: {  	v0 =	vor.u32 v13, v0;
	_ =	sdelay $0x3  }
0xa1: {  	[tilespmem:s19+$0xFFFFF300] =	vst v1;
	v1 =	vadd.s32 v44, v20  }
0xa2: {  	v0 =	vld.idx.msk [tilespmem:v0+s13+$0x0], $0xffff;
	v1 =	vand.u32 $0xFFFFFFF8, v1  }
0xa3: {  	v1 =	vor.u32 v15, v1;
	_ =	sdelay $0x3  }
0xa4: {  	[tilespmem:s19+$0xFFFFF400] =	vst v0;
	v0 =	vadd.s32 v45, v20  }
0xa5: {  	v1 =	vld.idx.msk [tilespmem:v1+s13+$0x0], $0xffff;
	v0 =	vand.u32 $0xFFFFFFF8, v0  }
0xa6: {  	v0 =	vor.u32 v17, v0;
	_ =	sdelay $0x3  }
0xa7: {  	[tilespmem:s19+$0xFFFFF500] =	vst v1;
	v1 =	vadd.s32 v46, v20  }
0xa8: {  	v0 =	vld.idx.msk [tilespmem:v0+s13+$0x0], $0xffff;
	v1 =	vand.u32 $0xFFFFFFF8, v1  }
0xa9: {  	v1 =	vor.u32 v19, v1;
	_ =	sdelay $0x3  }
0xaa: {  	[tilespmem:s19+$0xFFFFF600] =	vst v0;
	v0 =	vadd.s32 v6, v20  }
0xab: {  	v1 =	vld.idx.msk [tilespmem:v1+s13+$0x0], $0xffff;
	v0 =	vand.u32 $0xFFFFFFF8, v0  }
0xac: {  	v0 =	vor.u32 v5, v0;
	_ =	sdelay $0x3  }
0xad: {  	[tilespmem:s19+$0xFFFFF700] =	vst v1;
	v1 =	vadd.s32 v48, v20  }
0xae: {  	v0 =	vld.idx.msk [tilespmem:v0+s13+$0x0], $0xffff;
	v1 =	vand.u32 $0xFFFFFFF8, v1  }
0xaf: {  	v1 =	vor.u32 v7, v1;
	_ =	sdelay $0x3  }
0xb0: {  	[tilespmem:s19+$0xFFFFF800] =	vst v0;
	v0 =	vadd.s32 v49, v20  }
0xb1: {  	v1 =	vld.idx.msk [tilespmem:v1+s13+$0x0], $0xffff;
	v0 =	vand.u32 $0xFFFFFFF8, v0  }
0xb2: {  	v0 =	vor.u32 v9, v0;
	_ =	sdelay $0x3  }
0xb3: {  	[tilespmem:s19+$0xFFFFF900] =	vst v1;
	v1 =	vadd.s32 v50, v20  }
0xb4: {  	v0 =	vld.idx.msk [tilespmem:v0+s13+$0x0], $0xffff;
	v1 =	vand.u32 $0xFFFFFFF8, v1  }
0xb5: {  	v1 =	vor.u32 v11, v1;
	_ =	sdelay $0x3  }
0xb6: {  	[tilespmem:s19+$0xFFFFFA00] =	vst v0;
	v0 =	vadd.s32 v51, v20  }
0xb7: {  	v1 =	vld.idx.msk [tilespmem:v1+s13+$0x0], $0xffff;
	v0 =	vand.u32 $0xFFFFFFF8, v0  }
0xb8: {  	v0 =	vor.u32 v13, v0;
	_ =	sdelay $0x3  }
0xb9: {  	[tilespmem:s19+$0xFFFFFB00] =	vst v1;
	v1 =	vadd.s32 v62, v20  }
0xba: {  	v0 =	vld.idx.msk [tilespmem:v0+s13+$0x0], $0xffff;
	v1 =	vand.u32 $0xFFFFFFF8, v1  }
0xbb: {  	v1 =	vor.u32 v15, v1;
	_ =	sdelay $0x3  }
0xbc: {  	[tilespmem:s19+$0xFFFFFC00] =	vst v0;
	v0 =	vadd.s32 v8, v20  }
0xbd: {  	v1 =	vld.idx.msk [tilespmem:v1+s13+$0x0], $0xffff;
	v0 =	vand.u32 $0xFFFFFFF8, v0  }
0xbe: {  	v0 =	vor.u32 v17, v0;
	_ =	sdelay $0x3  }
0xbf: {  	[tilespmem:s19+$0xFFFFFD00] =	vst v1;
	v1 =	vadd.s32 v10, v20  }
0xc0: {  	v0 =	vld.idx.msk [tilespmem:v0+s13+$0x0], $0xffff;
	v1 =	vand.u32 $0xFFFFFFF8, v1  }
0xc1: {  	v1 =	vor.u32 v19, v1;
	_ =	sdelay $0x3  }
0xc2: {  	[tilespmem:s19+$0xFFFFFE00] =	vst v0;
	v0 =	vadd.s32 v55, v20  }
0xc3: {  	v1 =	vld.idx.msk [tilespmem:v1+s13+$0x0], $0xffff;
	v0 =	vand.u32 $0xFFFFFFF8, v0  }
0xc4: {  	v0 =	vor.u32 v5, v0;
	_ =	sdelay $0x3  }
0xc5: {  	[tilespmem:s19+$0xFFFFFF00] =	vst v1;
	v1 =	vadd.s32 v56, v20  }
0xc6: {  	v0 =	vld.idx.msk [tilespmem:v0+s13+$0x0], $0xffff;
	v1 =	vand.u32 $0xFFFFFFF8, v1  }
0xc7: {  	v1 =	vor.u32 v7, v1;
	_ =	sdelay $0x3  }
0xc8: {  	[tilespmem:s19+$0x0] =	vst v0;
	v0 =	vadd.s32 v57, v20  }
0xc9: {  	v1 =	vld.idx.msk [tilespmem:v1+s13+$0x0], $0xffff;
	v0 =	vand.u32 $0xFFFFFFF8, v0  }
0xca: {  	v0 =	vor.u32 v9, v0;
	_ =	sdelay $0x3  }
0xcb: {  	[tilespmem:s19+$0x100] =	vst v1;
	v1 =	vadd.s32 v58, v20  }
0xcc: {  	v0 =	vld.idx.msk [tilespmem:v0+s13+$0x0], $0xffff;
	v1 =	vand.u32 $0xFFFFFFF8, v1  }
0xcd: {  	v1 =	vor.u32 v11, v1;
	_ =	sdelay $0x3  }
0xce: {  	[tilespmem:s19+$0x200] =	vst v0;
	v0 =	vadd.s32 v59, v20  }
0xcf: {  	v1 =	vld.idx.msk [tilespmem:v1+s13+$0x0], $0xffff;
	v0 =	vand.u32 $0xFFFFFFF8, v0  }
0xd0: {  	v0 =	vor.u32 v13, v0;
	_ =	sdelay $0x3  }
0xd1: {  	[tilespmem:s19+$0x300] =	vst v1;
	v1 =	vadd.s32 v60, v20  }
0xd2: {  	v0 =	vld.idx.msk [tilespmem:v0+s13+$0x0], $0xffff;
	v1 =	vand.u32 $0xFFFFFFF8, v1  }
0xd3: {  	v1 =	vor.u32 v15, v1;
	_ =	sdelay $0x3  }
0xd4: {  	[tilespmem:s19+$0x400] =	vst v0;
	v0 =	vadd.s32 v61, v20  }
0xd5: {  	v1 =	vld.idx.msk [tilespmem:v1+s13+$0x0], $0xffff;
	v0 =	vand.u32 $0xFFFFFFF8, v0  }
0xd6: {  	v0 =	vor.u32 v17, v0;
	_ =	sdelay $0x3  }
0xd7: {  	[tilespmem:s19+$0x500] =	vst v1;
	v1 =	vld [tilespmem:$0x1FF60]  }
0xd8: {  	v0 =	vld.idx.msk [tilespmem:v0+s13+$0x0], $0xffff;
	_ =	sdelay $0x3  }
0xd9: {  	v43 =	vmov v63;
	v63 =	vmov v1;
	v1 =	vadd.s32 v1, v20  }
0xda: {  	v1 =	vand.u32 $0xFFFFFFF8, v1;
	[tilespmem:s19+$0x600] =	vst v0;
	v0 =	vld [tilespmem:$0x1FF50]  }
0xdb: {  	v1 =	vor.u32 v19, v1;
	_ =	sdelay $0x3  }
0xdc: {  	v0 =	vadd.s32 v0, v20  }
0xdd: {  	v1 =	vld.idx.msk [tilespmem:v1+s13+$0x0], $0xffff;
	v0 =	vand.u32 $0xFFFFFFF8, v0  }
0xde: {  	v0 =	vor.u32 v5, v0;
	_ =	sdelay $0x3  }
0xdf: {  	[tilespmem:s19+$0x700] =	vst v1;
	v1 =	vld [tilespmem:$0x1FF40]  }
0xe0: {  	v0 =	vld.idx.msk [tilespmem:v0+s13+$0x0], $0xffff;
	_ =	sdelay $0x3  }
0xe1: {  	v1 =	vadd.s32 v1, v20  }
0xe2: {  	v1 =	vand.u32 $0xFFFFFFF8, v1;
	[tilespmem:s19+$0x800] =	vst v0;
	v0 =	vld [tilespmem:$0x1FF30]  }
0xe3: {  	v1 =	vor.u32 v7, v1;
	_ =	sdelay $0x3  }
0xe4: {  	v0 =	vadd.s32 v0, v20  }
0xe5: {  	v1 =	vld.idx.msk [tilespmem:v1+s13+$0x0], $0xffff;
	v0 =	vand.u32 $0xFFFFFFF8, v0  }
0xe6: {  	v0 =	vor.u32 v9, v0;
	_ =	sdelay $0x3  }
0xe7: {  	[tilespmem:s19+$0x900] =	vst v1;
	v1 =	vld [tilespmem:$0x1FF20]  }
0xe8: {  	v0 =	vld.idx.msk [tilespmem:v0+s13+$0x0], $0xffff;
	_ =	sdelay $0x3  }
0xe9: {  	v1 =	vadd.s32 v1, v20  }
0xea: {  	v1 =	vand.u32 $0xFFFFFFF8, v1;
	[tilespmem:s19+$0xA00] =	vst v0;
	v0 =	vld [tilespmem:$0x1FF10]  }
0xeb: {  	v1 =	vor.u32 v11, v1;
	_ =	sdelay $0x3  }
0xec: {  	v0 =	vadd.s32 v0, v20  }
0xed: {  	v1 =	vld.idx.msk [tilespmem:v1+s13+$0x0], $0xffff;
	v0 =	vand.u32 $0xFFFFFFF8, v0  }
0xee: {  	v0 =	vor.u32 v13, v0;
	_ =	sdelay $0x3  }
0xef: {  	[tilespmem:s19+$0xB00] =	vst v1;
	v1 =	vld [tilespmem:$0x1FF00]  }
0xf0: {  	v0 =	vld.idx.msk [tilespmem:v0+s13+$0x0], $0xffff;
	_ =	sdelay $0x3  }
0xf1: {  	v1 =	vadd.s32 v1, v20  }
0xf2: {  	v1 =	vand.u32 $0xFFFFFFF8, v1;
	[tilespmem:s19+$0xC00] =	vst v0;
	v0 =	vld [tilespmem:$0x1FEF0]  }
0xf3: {  	v1 =	vor.u32 v15, v1;
	_ =	sdelay $0x3  }
0xf4: {  	v0 =	vadd.s32 v0, v20  }
0xf5: {  	v1 =	vld.idx.msk [tilespmem:v1+s13+$0x0], $0xffff;
	v0 =	vand.u32 $0xFFFFFFF8, v0  }
0xf6: {  	v0 =	vor.u32 v17, v0;
	_ =	sdelay $0x3  }
0xf7: {  	[tilespmem:s19+$0xD00] =	vst v1;
	v1 =	vld [tilespmem:$0x1FEE0]  }
0xf8: {  	v0 =	vld.idx.msk [tilespmem:v0+s13+$0x0], $0xffff;
	_ =	sdelay $0x3  }
0xf9: {  	v1 =	vadd.s32 v1, v20  }
0xfa: {  	v1 =	vand.u32 $0xFFFFFFF8, v1;
	[tilespmem:s19+$0xE00] =	vst v0;
	v0 =	vld [tilespmem:$0x1FED0]  }
0xfb: {  	v1 =	vor.u32 v19, v1;
	_ =	sdelay $0x3  }
0xfc: {  	v42 =	vmov v32;
	v32 =	vld [tilespmem:$0x1FEA0];
	v0 =	vadd.s32 v0, v20  }
0xfd: {  	v1 =	vld.idx.msk [tilespmem:v1+s13+$0x0], $0xffff;
	v0 =	vand.u32 $0xFFFFFFF8, v0  }
0xfe: {  	v0 =	vor.u32 v5, v0;
	_ =	sdelay $0x3  }
0xff: {  	v33 =	vld [tilespmem:$0x1FEC0];
	[tilespmem:s19+$0xF00] =	vst v1;
	v1 =	vadd.s32 v32, v20  }
0x100: {  	v0 =	vld.idx.msk [tilespmem:v0+s13+$0x0], $0xffff;
	v1 =	vand.u32 $0xFFFFFFF8, v1  }
0x101: {  	v1 =	vor.u32 v7, v1;
	_ =	sdelay $0x3  }
0x102: {  	[tilespmem:s19+$0x1000] =	vst v0;
	v0 =	vadd.s32 v33, v20  }
0x103: {  	v1 =	vld.idx.msk [tilespmem:v1+s13+$0x0], $0xffff;
	v0 =	vand.u32 $0xFFFFFFF8, v0  }
0x104: {  	v0 =	vor.u32 v9, v0;
	_ =	sdelay $0x2  }
0x105: {  	v53 =	vmov v2;
	v2 =	vadd.s32 $0x33, v23  }
0x106: {  	[tilespmem:s19+$0x1100] =	vst v1;
	v1 =	vadd.s32 v2, v20  }
0x107: {  	v8 =	vmov v2;
	v2 =	vld.idx.msk [tilespmem:v0+s13+$0x0], $0xffff;
	v0 =	vand.u32 $0xFFFFFFF8, v1  }
0x108: {  	v1 =	vor.u32 v11, v0;
	_ =	sdelay $0x2  }
0x109: {  	v0 =	vadd.s32 $0x34, v23  }
0x10a: {  	[tilespmem:s19+$0x1200] =	vst v2;
	v2 =	vadd.s32 v0, v20  }
0x10b: {  	v40 =	vmov v3;
	v3 =	vld.idx.msk [tilespmem:v1+s13+$0x0], $0xffff;
	v1 =	vand.u32 $0xFFFFFFF8, v2  }
0x10c: {  	v2 =	vor.u32 v13, v1;
	_ =	sdelay $0x2  }
0x10d: {  	v1 =	vadd.s32 $0x35, v23  }
0x10e: {  	[tilespmem:s19+$0x1300] =	vst v3;
	v3 =	vadd.s32 v1, v20  }
0x10f: {  	v52 =	vmov v4;
	v4 =	vld.idx.msk [tilespmem:v2+s13+$0x0], $0xffff;
	v2 =	vand.u32 $0xFFFFFFF8, v3  }
0x110: {  	v3 =	vor.u32 v15, v2;
	_ =	sdelay $0x2  }
0x111: {  	v47 =	vmov v6;
	v6 =	vadd.s32 $0x36, v23  }
0x112: {  	[tilespmem:s19+$0x1400] =	vst v4;
	v4 =	vadd.s32 v6, v20  }
0x113: {  	v2 =	vmov v6;
	v6 =	vld.idx.msk [tilespmem:v3+s13+$0x0], $0xffff;
	v3 =	vand.u32 $0xFFFFFFF8, v4  }
0x114: {  	v4 =	vor.u32 v17, v3;
	_ =	sdelay $0x2  }
0x115: {  	v54 =	vmov v10;
	v10 =	vadd.s32 $0x37, v23  }
0x116: {  	[tilespmem:s19+$0x1500] =	vst v6;
	v6 =	vadd.s32 v10, v20  }
0x117: {  	v4 =	vld.idx.msk [tilespmem:v4+s13+$0x0], $0xffff;
	v6 =	vand.u32 $0xFFFFFFF8, v6  }
0x118: {  	v3 =	vmov v10;
	v10 =	vor.u32 v19, v6;
	_ =	sdelay $0x2  }
0x119: {  	v14 =	vadd.s32 $0x38, v23  }
0x11a: {  	[tilespmem:s19+$0x1600] =	vst v4;
	v4 =	vadd.s32 v14, v20  }
0x11b: {  	v10 =	vld.idx.msk [tilespmem:v10+s13+$0x0], $0xffff;
	v4 =	vand.u32 $0xFFFFFFF8, v4  }
0x11c: {  	v4 =	vor.u32 v5, v4;
	_ =	sdelay $0x2  }
0x11d: {  	v6 =	vmov v14;
	v14 =	vadd.s32 $0x39, v23  }
0x11e: {  	[tilespmem:s19+$0x1700] =	vst v10;
	v10 =	vadd.s32 v14, v20  }
0x11f: {  	v4 =	vld.idx.msk [tilespmem:v4+s13+$0x0], $0xffff;
	v10 =	vand.u32 $0xFFFFFFF8, v10  }
0x120: {  	v38 =	vmov v12;
	v12 =	vmov v14;
	v14 =	vor.u32 v7, v10;
	_ =	sdelay $0x2  }
0x121: {  	v37 =	vmov v16;
	v16 =	vadd.s32 $0x3A, v23  }
0x122: {  	[tilespmem:s19+$0x1800] =	vst v4;
	v4 =	vadd.s32 v16, v20  }
0x123: {  	v14 =	vld.idx.msk [tilespmem:v14+s13+$0x0], $0xffff;
	v4 =	vand.u32 $0xFFFFFFF8, v4  }
0x124: {  	v4 =	vor.u32 v9, v4;
	_ =	sdelay $0x2  }
0x125: {  	v10 =	vmov v16;
	v16 =	vadd.s32 $0x3B, v23  }
0x126: {  	[tilespmem:s19+$0x1900] =	vst v14;
	v14 =	vadd.s32 v16, v20  }
0x127: {  	v4 =	vld.idx.msk [tilespmem:v4+s13+$0x0], $0xffff;
	v14 =	vand.u32 $0xFFFFFFF8, v14  }
0x128: {  	v24 =	vmov v16;
	v16 =	vor.u32 v11, v14;
	_ =	sdelay $0x2  }
0x129: {  	v14 =	vadd.s32 $0x3C, v23  }
0x12a: {  	[tilespmem:s19+$0x1A00] =	vst v4;
	v4 =	vadd.s32 v14, v20  }
0x12b: {  	v16 =	vld.idx.msk [tilespmem:v16+s13+$0x0], $0xffff;
	v4 =	vand.u32 $0xFFFFFFF8, v4  }
0x12c: {  	v18 =	vor.u32 v13, v4;
	_ =	sdelay $0x3  }
0x12d: {  	[tilespmem:s19+$0x1B00] =	vst v16  }
0x12e: {  	v18 =	vld.idx.msk [tilespmem:v18+s13+$0x0], $0xffff  }
0x12f: {  	v4 =	vadd.s32 $0x3D, v23  }
0x130: {  	v16 =	vadd.s32 v4, v20  }
0x131: {  	v16 =	vand.u32 $0xFFFFFFF8, v16  }
0x132: {  	v36 =	vmov v21;
	v21 =	vor.u32 v15, v16;
	v16 =	vadd.s32 $0x3E, v23  }
0x133: {  	[tilespmem:s19+$0x1C00] =	vst v18;
	v18 =	vadd.s32 v16, v20  }
0x134: {  	v18 =	vand.u32 $0xFFFFFFF8, v18  }
0x135: {  	v18 =	vor.u32 v17, v18  }
0x136: {  	[tilespmem:$0x1FE20] =	vst v18;
	v18 =	vadd.s32 $0x3F, v23  }
0x137: {  	v20 =	vadd.s32 v18, v20  }
0x138: {  	v35 =	vmov v22;
	v22 =	vand.u32 $0xFFFFFFF8, v20;
	v20 =	vld [tilespmem:$0x1FE20];
	_ =	sdelay $0x1  }
0x139: {  	v21 =	vld.idx.msk [tilespmem:v21+s13+$0x0], $0xffff;
	_ =	sdelay $0x4  }
0x13a: {  	[tilespmem:s19+$0x1D00] =	vst v21  }
0x13b: {  	s31 =	simm.s32 $0x10;
	v21 =	vld.idx.msk [tilespmem:v20+s13+$0x0], $0xffff  }
0x13c: {  	s20 =	simm.s32 $0x20;
	v22 =	vor.u32 v19, v22;
	v20 =	vmov s31  }
.LBB2_4:
0x13d: {  	_ =	sdelay $0x2  }
0x13e: {  	[tilespmem:s19+$0x1E00] =	vst v21  }
0x13f: {  	v20 =	vmul.u32 $0x41, v20;
	v22 =	vld.idx.msk [tilespmem:v22+s13+$0x0], $0xffff;
	_ =	sdelay $0x1  }
0x140: {  	v20 =	vbroadcast v20, $0x0;
	_ =	sdelay $0x1  }
0x141: {  	v21 =	vadd.s32 v23, v20  }
0x142: {  	v21 =	vand.u32 $0xFFFFFFF8, v21;
	[tilespmem:s19+$0x1F00] =	vst v22;
	v22 =	vld [tilespmem:$0x1FE70]  }
0x143: {  	v21 =	vor.u32 v5, v21;
	_ =	sdelay $0x3  }
0x144: {  	v22 =	vadd.s32 v22, v20  }
0x145: {  	v21 =	vld.idx.msk [tilespmem:v21+s13+$0x0], $0xffff;
	v22 =	vand.u32 $0xFFFFFFF8, v22  }
0x146: {  	v22 =	vor.u32 v7, v22;
	_ =	sdelay $0x2  }
0x147: {  	s19 =	sadd.s32 $0x10, s19  }
0x148: {  	[tilespmem:s19+$0xFFFFE000] =	vst v21  }
0x149: {  	v21 =	vld.idx.msk [tilespmem:v22+s13+$0x0], $0xffff;
	v22 =	vadd.s32 v25, v20  }
0x14a: {  	v22 =	vand.u32 $0xFFFFFFF8, v22  }
0x14b: {  	v22 =	vor.u32 v9, v22;
	_ =	sdelay $0x3  }
0x14c: {  	[tilespmem:s19+$0xFFFFE100] =	vst v21  }
0x14d: {  	v21 =	vld.idx.msk [tilespmem:v22+s13+$0x0], $0xffff;
	v22 =	vadd.s32 v26, v20  }
0x14e: {  	v22 =	vand.u32 $0xFFFFFFF8, v22  }
0x14f: {  	v22 =	vor.u32 v11, v22;
	_ =	sdelay $0x3  }
0x150: {  	[tilespmem:s19+$0xFFFFE200] =	vst v21  }
0x151: {  	v21 =	vld.idx.msk [tilespmem:v22+s13+$0x0], $0xffff;
	v22 =	vadd.s32 v27, v20  }
0x152: {  	v22 =	vand.u32 $0xFFFFFFF8, v22  }
0x153: {  	v22 =	vor.u32 v13, v22;
	_ =	sdelay $0x3  }
0x154: {  	[tilespmem:s19+$0xFFFFE300] =	vst v21  }
0x155: {  	v21 =	vld.idx.msk [tilespmem:v22+s13+$0x0], $0xffff;
	v22 =	vadd.s32 v28, v20  }
0x156: {  	v22 =	vand.u32 $0xFFFFFFF8, v22  }
0x157: {  	v22 =	vor.u32 v15, v22;
	_ =	sdelay $0x3  }
0x158: {  	[tilespmem:s19+$0xFFFFE400] =	vst v21  }
0x159: {  	v21 =	vld.idx.msk [tilespmem:v22+s13+$0x0], $0xffff;
	v22 =	vadd.s32 v29, v20  }
0x15a: {  	v22 =	vand.u32 $0xFFFFFFF8, v22  }
0x15b: {  	v22 =	vor.u32 v17, v22;
	_ =	sdelay $0x3  }
0x15c: {  	[tilespmem:s19+$0xFFFFE500] =	vst v21  }
0x15d: {  	v21 =	vld.idx.msk [tilespmem:v22+s13+$0x0], $0xffff;
	v22 =	vadd.s32 v30, v20  }
0x15e: {  	v22 =	vand.u32 $0xFFFFFFF8, v22  }
0x15f: {  	v22 =	vor.u32 v19, v22;
	_ =	sdelay $0x3  }
0x160: {  	[tilespmem:s19+$0xFFFFE600] =	vst v21  }
0x161: {  	v21 =	vld.idx.msk [tilespmem:v22+s13+$0x0], $0xffff;
	v22 =	vadd.s32 v31, v20  }
0x162: {  	v22 =	vand.u32 $0xFFFFFFF8, v22  }
0x163: {  	v22 =	vor.u32 v5, v22;
	_ =	sdelay $0x3  }
0x164: {  	[tilespmem:s19+$0xFFFFE700] =	vst v21  }
0x165: {  	v21 =	vld.idx.msk [tilespmem:v22+s13+$0x0], $0xffff;
	v22 =	vadd.s32 v42, v20  }
0x166: {  	v22 =	vand.u32 $0xFFFFFFF8, v22  }
0x167: {  	v22 =	vor.u32 v7, v22;
	_ =	sdelay $0x3  }
0x168: {  	[tilespmem:s19+$0xFFFFE800] =	vst v21  }
0x169: {  	v21 =	vld.idx.msk [tilespmem:v22+s13+$0x0], $0xffff;
	v22 =	vadd.s32 v43, v20  }
0x16a: {  	v22 =	vand.u32 $0xFFFFFFF8, v22  }
0x16b: {  	v22 =	vor.u32 v9, v22;
	_ =	sdelay $0x3  }
0x16c: {  	[tilespmem:s19+$0xFFFFE900] =	vst v21  }
0x16d: {  	v21 =	vld.idx.msk [tilespmem:v22+s13+$0x0], $0xffff;
	v22 =	vadd.s32 v34, v20  }
0x16e: {  	v22 =	vand.u32 $0xFFFFFFF8, v22  }
0x16f: {  	v22 =	vor.u32 v11, v22;
	_ =	sdelay $0x3  }
0x170: {  	[tilespmem:s19+$0xFFFFEA00] =	vst v21  }
0x171: {  	v21 =	vld.idx.msk [tilespmem:v22+s13+$0x0], $0xffff;
	v22 =	vadd.s32 v35, v20  }
0x172: {  	v22 =	vand.u32 $0xFFFFFFF8, v22  }
0x173: {  	v22 =	vor.u32 v13, v22;
	_ =	sdelay $0x3  }
0x174: {  	[tilespmem:s19+$0xFFFFEB00] =	vst v21  }
0x175: {  	v21 =	vld.idx.msk [tilespmem:v22+s13+$0x0], $0xffff;
	v22 =	vadd.s32 v36, v20  }
0x176: {  	v22 =	vand.u32 $0xFFFFFFF8, v22  }
0x177: {  	v22 =	vor.u32 v15, v22;
	_ =	sdelay $0x3  }
0x178: {  	[tilespmem:s19+$0xFFFFEC00] =	vst v21  }
0x179: {  	v21 =	vld.idx.msk [tilespmem:v22+s13+$0x0], $0xffff;
	v22 =	vadd.s32 v37, v20  }
0x17a: {  	v22 =	vand.u32 $0xFFFFFFF8, v22  }
0x17b: {  	v22 =	vor.u32 v17, v22;
	_ =	sdelay $0x3  }
0x17c: {  	[tilespmem:s19+$0xFFFFED00] =	vst v21  }
0x17d: {  	v21 =	vld.idx.msk [tilespmem:v22+s13+$0x0], $0xffff;
	v22 =	vadd.s32 v38, v20  }
0x17e: {  	v22 =	vand.u32 $0xFFFFFFF8, v22  }
0x17f: {  	v22 =	vor.u32 v19, v22;
	_ =	sdelay $0x3  }
0x180: {  	[tilespmem:s19+$0xFFFFEE00] =	vst v21  }
0x181: {  	v21 =	vld.idx.msk [tilespmem:v22+s13+$0x0], $0xffff;
	v22 =	vadd.s32 v39, v20  }
0x182: {  	v22 =	vand.u32 $0xFFFFFFF8, v22  }
0x183: {  	v22 =	vor.u32 v5, v22;
	_ =	sdelay $0x3  }
0x184: {  	[tilespmem:s19+$0xFFFFEF00] =	vst v21  }
0x185: {  	v21 =	vld.idx.msk [tilespmem:v22+s13+$0x0], $0xffff;
	v22 =	vadd.s32 v40, v20  }
0x186: {  	v22 =	vand.u32 $0xFFFFFFF8, v22  }
0x187: {  	v22 =	vor.u32 v7, v22;
	_ =	sdelay $0x3  }
0x188: {  	[tilespmem:s19+$0xFFFFF000] =	vst v21  }
0x189: {  	v21 =	vld.idx.msk [tilespmem:v22+s13+$0x0], $0xffff;
	v22 =	vadd.s32 v41, v20  }
0x18a: {  	v22 =	vand.u32 $0xFFFFFFF8, v22  }
0x18b: {  	v22 =	vor.u32 v9, v22;
	_ =	sdelay $0x3  }
0x18c: {  	[tilespmem:s19+$0xFFFFF100] =	vst v21  }
0x18d: {  	v21 =	vld.idx.msk [tilespmem:v22+s13+$0x0], $0xffff;
	v22 =	vadd.s32 v52, v20  }
0x18e: {  	v22 =	vand.u32 $0xFFFFFFF8, v22  }
0x18f: {  	v22 =	vor.u32 v11, v22;
	_ =	sdelay $0x3  }
0x190: {  	[tilespmem:s19+$0xFFFFF200] =	vst v21  }
0x191: {  	v21 =	vld.idx.msk [tilespmem:v22+s13+$0x0], $0xffff;
	v22 =	vadd.s32 v53, v20  }
0x192: {  	v22 =	vand.u32 $0xFFFFFFF8, v22  }
0x193: {  	v22 =	vor.u32 v13, v22;
	_ =	sdelay $0x3  }
0x194: {  	[tilespmem:s19+$0xFFFFF300] =	vst v21  }
0x195: {  	v21 =	vld.idx.msk [tilespmem:v22+s13+$0x0], $0xffff;
	v22 =	vadd.s32 v44, v20  }
0x196: {  	v22 =	vand.u32 $0xFFFFFFF8, v22  }
0x197: {  	v22 =	vor.u32 v15, v22;
	_ =	sdelay $0x3  }
0x198: {  	[tilespmem:s19+$0xFFFFF400] =	vst v21  }
0x199: {  	v21 =	vld.idx.msk [tilespmem:v22+s13+$0x0], $0xffff;
	v22 =	vadd.s32 v45, v20  }
0x19a: {  	v22 =	vand.u32 $0xFFFFFFF8, v22  }
0x19b: {  	v22 =	vor.u32 v17, v22;
	_ =	sdelay $0x3  }
0x19c: {  	[tilespmem:s19+$0xFFFFF500] =	vst v21  }
0x19d: {  	v21 =	vld.idx.msk [tilespmem:v22+s13+$0x0], $0xffff;
	v22 =	vadd.s32 v46, v20  }
0x19e: {  	v22 =	vand.u32 $0xFFFFFFF8, v22  }
0x19f: {  	v22 =	vor.u32 v19, v22;
	_ =	sdelay $0x3  }
0x1a0: {  	[tilespmem:s19+$0xFFFFF600] =	vst v21  }
0x1a1: {  	v21 =	vld.idx.msk [tilespmem:v22+s13+$0x0], $0xffff;
	v22 =	vadd.s32 v47, v20  }
0x1a2: {  	v22 =	vand.u32 $0xFFFFFFF8, v22  }
0x1a3: {  	v22 =	vor.u32 v5, v22;
	_ =	sdelay $0x3  }
0x1a4: {  	[tilespmem:s19+$0xFFFFF700] =	vst v21  }
0x1a5: {  	v21 =	vld.idx.msk [tilespmem:v22+s13+$0x0], $0xffff;
	v22 =	vadd.s32 v48, v20  }
0x1a6: {  	v22 =	vand.u32 $0xFFFFFFF8, v22  }
0x1a7: {  	v22 =	vor.u32 v7, v22;
	_ =	sdelay $0x3  }
0x1a8: {  	[tilespmem:s19+$0xFFFFF800] =	vst v21  }
0x1a9: {  	v21 =	vld.idx.msk [tilespmem:v22+s13+$0x0], $0xffff;
	v22 =	vadd.s32 v49, v20  }
0x1aa: {  	v22 =	vand.u32 $0xFFFFFFF8, v22  }
0x1ab: {  	v22 =	vor.u32 v9, v22;
	_ =	sdelay $0x3  }
0x1ac: {  	[tilespmem:s19+$0xFFFFF900] =	vst v21  }
0x1ad: {  	v21 =	vld.idx.msk [tilespmem:v22+s13+$0x0], $0xffff;
	v22 =	vadd.s32 v50, v20  }
0x1ae: {  	v22 =	vand.u32 $0xFFFFFFF8, v22  }
0x1af: {  	v22 =	vor.u32 v11, v22;
	_ =	sdelay $0x3  }
0x1b0: {  	[tilespmem:s19+$0xFFFFFA00] =	vst v21  }
0x1b1: {  	v21 =	vld.idx.msk [tilespmem:v22+s13+$0x0], $0xffff;
	v22 =	vadd.s32 v51, v20  }
0x1b2: {  	v22 =	vand.u32 $0xFFFFFFF8, v22  }
0x1b3: {  	v22 =	vor.u32 v13, v22;
	_ =	sdelay $0x3  }
0x1b4: {  	[tilespmem:s19+$0xFFFFFB00] =	vst v21  }
0x1b5: {  	v21 =	vld.idx.msk [tilespmem:v22+s13+$0x0], $0xffff;
	v22 =	vadd.s32 v62, v20  }
0x1b6: {  	v22 =	vand.u32 $0xFFFFFFF8, v22  }
0x1b7: {  	v22 =	vor.u32 v15, v22;
	_ =	sdelay $0x3  }
0x1b8: {  	[tilespmem:s19+$0xFFFFFC00] =	vst v21  }
0x1b9: {  	v21 =	vld.idx.msk [tilespmem:v22+s13+$0x0], $0xffff  }
0x1ba: {  	v22 =	vld [tilespmem:$0x1FF70];
	_ =	sdelay $0x4  }
0x1bb: {  	v22 =	vadd.s32 v22, v20  }
0x1bc: {  	v22 =	vand.u32 $0xFFFFFFF8, v22  }
0x1bd: {  	v22 =	vor.u32 v17, v22;
	_ =	sdelay $0x3  }
0x1be: {  	[tilespmem:s19+$0xFFFFFD00] =	vst v21  }
0x1bf: {  	v21 =	vld.idx.msk [tilespmem:v22+s13+$0x0], $0xffff;
	v22 =	vadd.s32 v54, v20  }
0x1c0: {  	v22 =	vand.u32 $0xFFFFFFF8, v22  }
0x1c1: {  	v22 =	vor.u32 v19, v22;
	_ =	sdelay $0x3  }
0x1c2: {  	[tilespmem:s19+$0xFFFFFE00] =	vst v21  }
0x1c3: {  	v21 =	vld.idx.msk [tilespmem:v22+s13+$0x0], $0xffff;
	v22 =	vadd.s32 v55, v20  }
0x1c4: {  	v22 =	vand.u32 $0xFFFFFFF8, v22  }
0x1c5: {  	v22 =	vor.u32 v5, v22;
	_ =	sdelay $0x3  }
0x1c6: {  	[tilespmem:s19+$0xFFFFFF00] =	vst v21  }
0x1c7: {  	v21 =	vld.idx.msk [tilespmem:v22+s13+$0x0], $0xffff;
	v22 =	vadd.s32 v56, v20  }
0x1c8: {  	v22 =	vand.u32 $0xFFFFFFF8, v22  }
0x1c9: {  	v22 =	vor.u32 v7, v22;
	_ =	sdelay $0x3  }
0x1ca: {  	[tilespmem:s19+$0x0] =	vst v21  }
0x1cb: {  	v21 =	vld.idx.msk [tilespmem:v22+s13+$0x0], $0xffff;
	v22 =	vadd.s32 v57, v20  }
0x1cc: {  	v22 =	vand.u32 $0xFFFFFFF8, v22  }
0x1cd: {  	v22 =	vor.u32 v9, v22;
	_ =	sdelay $0x3  }
0x1ce: {  	[tilespmem:s19+$0x100] =	vst v21  }
0x1cf: {  	v21 =	vld.idx.msk [tilespmem:v22+s13+$0x0], $0xffff;
	v22 =	vadd.s32 v58, v20  }
0x1d0: {  	v22 =	vand.u32 $0xFFFFFFF8, v22  }
0x1d1: {  	v22 =	vor.u32 v11, v22;
	_ =	sdelay $0x3  }
0x1d2: {  	[tilespmem:s19+$0x200] =	vst v21  }
0x1d3: {  	v21 =	vld.idx.msk [tilespmem:v22+s13+$0x0], $0xffff;
	v22 =	vadd.s32 v59, v20  }
0x1d4: {  	v22 =	vand.u32 $0xFFFFFFF8, v22  }
0x1d5: {  	v22 =	vor.u32 v13, v22;
	_ =	sdelay $0x3  }
0x1d6: {  	[tilespmem:s19+$0x300] =	vst v21  }
0x1d7: {  	v21 =	vld.idx.msk [tilespmem:v22+s13+$0x0], $0xffff;
	v22 =	vadd.s32 v60, v20  }
0x1d8: {  	v22 =	vand.u32 $0xFFFFFFF8, v22  }
0x1d9: {  	v22 =	vor.u32 v15, v22;
	_ =	sdelay $0x3  }
0x1da: {  	[tilespmem:s19+$0x400] =	vst v21  }
0x1db: {  	v21 =	vld.idx.msk [tilespmem:v22+s13+$0x0], $0xffff;
	v22 =	vadd.s32 v61, v20  }
0x1dc: {  	v22 =	vand.u32 $0xFFFFFFF8, v22  }
0x1dd: {  	v22 =	vor.u32 v17, v22;
	_ =	sdelay $0x3  }
0x1de: {  	[tilespmem:s19+$0x500] =	vst v21  }
0x1df: {  	v21 =	vld.idx.msk [tilespmem:v22+s13+$0x0], $0xffff;
	v22 =	vadd.s32 v63, v20  }
0x1e0: {  	v22 =	vand.u32 $0xFFFFFFF8, v22  }
0x1e1: {  	v22 =	vor.u32 v19, v22;
	_ =	sdelay $0x3  }
0x1e2: {  	[tilespmem:s19+$0x600] =	vst v21  }
0x1e3: {  	v21 =	vld.idx.msk [tilespmem:v22+s13+$0x0], $0xffff  }
0x1e4: {  	v22 =	vld [tilespmem:$0x1FF50];
	_ =	sdelay $0x4  }
0x1e5: {  	v22 =	vadd.s32 v22, v20  }
0x1e6: {  	v22 =	vand.u32 $0xFFFFFFF8, v22  }
0x1e7: {  	v22 =	vor.u32 v5, v22;
	_ =	sdelay $0x3  }
0x1e8: {  	[tilespmem:s19+$0x700] =	vst v21  }
0x1e9: {  	v21 =	vld.idx.msk [tilespmem:v22+s13+$0x0], $0xffff  }
0x1ea: {  	v22 =	vld [tilespmem:$0x1FF40];
	_ =	sdelay $0x4  }
0x1eb: {  	v22 =	vadd.s32 v22, v20  }
0x1ec: {  	v22 =	vand.u32 $0xFFFFFFF8, v22  }
0x1ed: {  	v22 =	vor.u32 v7, v22;
	_ =	sdelay $0x3  }
0x1ee: {  	[tilespmem:s19+$0x800] =	vst v21  }
0x1ef: {  	v21 =	vld.idx.msk [tilespmem:v22+s13+$0x0], $0xffff  }
0x1f0: {  	v22 =	vld [tilespmem:$0x1FF30];
	_ =	sdelay $0x4  }
0x1f1: {  	v22 =	vadd.s32 v22, v20  }
0x1f2: {  	v22 =	vand.u32 $0xFFFFFFF8, v22  }
0x1f3: {  	v22 =	vor.u32 v9, v22;
	_ =	sdelay $0x3  }
0x1f4: {  	[tilespmem:s19+$0x900] =	vst v21  }
0x1f5: {  	v21 =	vld.idx.msk [tilespmem:v22+s13+$0x0], $0xffff  }
0x1f6: {  	v22 =	vld [tilespmem:$0x1FF20];
	_ =	sdelay $0x4  }
0x1f7: {  	v22 =	vadd.s32 v22, v20  }
0x1f8: {  	v22 =	vand.u32 $0xFFFFFFF8, v22  }
0x1f9: {  	v22 =	vor.u32 v11, v22;
	_ =	sdelay $0x3  }
0x1fa: {  	[tilespmem:s19+$0xA00] =	vst v21  }
0x1fb: {  	v21 =	vld.idx.msk [tilespmem:v22+s13+$0x0], $0xffff  }
0x1fc: {  	v22 =	vld [tilespmem:$0x1FF10];
	_ =	sdelay $0x4  }
0x1fd: {  	v22 =	vadd.s32 v22, v20  }
0x1fe: {  	v22 =	vand.u32 $0xFFFFFFF8, v22  }
0x1ff: {  	v22 =	vor.u32 v13, v22;
	_ =	sdelay $0x3  }
0x200: {  	[tilespmem:s19+$0xB00] =	vst v21  }
0x201: {  	v21 =	vld.idx.msk [tilespmem:v22+s13+$0x0], $0xffff  }
0x202: {  	v22 =	vld [tilespmem:$0x1FF00];
	_ =	sdelay $0x4  }
0x203: {  	v22 =	vadd.s32 v22, v20  }
0x204: {  	v22 =	vand.u32 $0xFFFFFFF8, v22  }
0x205: {  	v22 =	vor.u32 v15, v22;
	_ =	sdelay $0x3  }
0x206: {  	[tilespmem:s19+$0xC00] =	vst v21  }
0x207: {  	v21 =	vld.idx.msk [tilespmem:v22+s13+$0x0], $0xffff  }
0x208: {  	v22 =	vld [tilespmem:$0x1FEF0];
	_ =	sdelay $0x4  }
0x209: {  	v22 =	vadd.s32 v22, v20  }
0x20a: {  	v22 =	vand.u32 $0xFFFFFFF8, v22  }
0x20b: {  	v22 =	vor.u32 v17, v22;
	_ =	sdelay $0x3  }
0x20c: {  	[tilespmem:s19+$0xD00] =	vst v21  }
0x20d: {  	v21 =	vld.idx.msk [tilespmem:v22+s13+$0x0], $0xffff  }
0x20e: {  	v22 =	vld [tilespmem:$0x1FEE0];
	_ =	sdelay $0x4  }
0x20f: {  	v22 =	vadd.s32 v22, v20  }
0x210: {  	v22 =	vand.u32 $0xFFFFFFF8, v22  }
0x211: {  	v22 =	vor.u32 v19, v22;
	_ =	sdelay $0x3  }
0x212: {  	[tilespmem:s19+$0xE00] =	vst v21  }
0x213: {  	v21 =	vld.idx.msk [tilespmem:v22+s13+$0x0], $0xffff  }
0x214: {  	v22 =	vld [tilespmem:$0x1FED0];
	_ =	sdelay $0x4  }
0x215: {  	v22 =	vadd.s32 v22, v20  }
0x216: {  	v22 =	vand.u32 $0xFFFFFFF8, v22  }
0x217: {  	v22 =	vor.u32 v5, v22;
	_ =	sdelay $0x3  }
0x218: {  	[tilespmem:s19+$0xF00] =	vst v21  }
0x219: {  	v21 =	vld.idx.msk [tilespmem:v22+s13+$0x0], $0xffff;
	v22 =	vadd.s32 v32, v20  }
0x21a: {  	v22 =	vand.u32 $0xFFFFFFF8, v22  }
0x21b: {  	v22 =	vor.u32 v7, v22;
	_ =	sdelay $0x3  }
0x21c: {  	[tilespmem:s19+$0x1000] =	vst v21  }
0x21d: {  	v21 =	vld.idx.msk [tilespmem:v22+s13+$0x0], $0xffff;
	v22 =	vadd.s32 v33, v20  }
0x21e: {  	v22 =	vand.u32 $0xFFFFFFF8, v22  }
0x21f: {  	v22 =	vor.u32 v9, v22;
	_ =	sdelay $0x3  }
0x220: {  	[tilespmem:s19+$0x1100] =	vst v21  }
0x221: {  	v21 =	vld.idx.msk [tilespmem:v22+s13+$0x0], $0xffff;
	v22 =	vadd.s32 v8, v20  }
0x222: {  	v22 =	vand.u32 $0xFFFFFFF8, v22  }
0x223: {  	v22 =	vor.u32 v11, v22;
	_ =	sdelay $0x3  }
0x224: {  	[tilespmem:s19+$0x1200] =	vst v21  }
0x225: {  	v21 =	vld.idx.msk [tilespmem:v22+s13+$0x0], $0xffff;
	v22 =	vadd.s32 v0, v20  }
0x226: {  	v22 =	vand.u32 $0xFFFFFFF8, v22  }
0x227: {  	v22 =	vor.u32 v13, v22;
	_ =	sdelay $0x3  }
0x228: {  	[tilespmem:s19+$0x1300] =	vst v21  }
0x229: {  	v21 =	vld.idx.msk [tilespmem:v22+s13+$0x0], $0xffff;
	v22 =	vadd.s32 v1, v20  }
0x22a: {  	v22 =	vand.u32 $0xFFFFFFF8, v22  }
0x22b: {  	v22 =	vor.u32 v15, v22;
	_ =	sdelay $0x3  }
0x22c: {  	[tilespmem:s19+$0x1400] =	vst v21  }
0x22d: {  	v21 =	vld.idx.msk [tilespmem:v22+s13+$0x0], $0xffff;
	v22 =	vadd.s32 v2, v20  }
0x22e: {  	v22 =	vand.u32 $0xFFFFFFF8, v22  }
0x22f: {  	v22 =	vor.u32 v17, v22;
	_ =	sdelay $0x3  }
0x230: {  	[tilespmem:s19+$0x1500] =	vst v21  }
0x231: {  	v21 =	vld.idx.msk [tilespmem:v22+s13+$0x0], $0xffff;
	v22 =	vadd.s32 v3, v20  }
0x232: {  	v22 =	vand.u32 $0xFFFFFFF8, v22  }
0x233: {  	v22 =	vor.u32 v19, v22;
	_ =	sdelay $0x3  }
0x234: {  	[tilespmem:s19+$0x1600] =	vst v21  }
0x235: {  	v21 =	vld.idx.msk [tilespmem:v22+s13+$0x0], $0xffff;
	v22 =	vadd.s32 v6, v20  }
0x236: {  	v22 =	vand.u32 $0xFFFFFFF8, v22  }
0x237: {  	v22 =	vor.u32 v5, v22;
	_ =	sdelay $0x3  }
0x238: {  	[tilespmem:s19+$0x1700] =	vst v21  }
0x239: {  	v21 =	vld.idx.msk [tilespmem:v22+s13+$0x0], $0xffff;
	v22 =	vadd.s32 v12, v20  }
0x23a: {  	v22 =	vand.u32 $0xFFFFFFF8, v22  }
0x23b: {  	v22 =	vor.u32 v7, v22;
	_ =	sdelay $0x3  }
0x23c: {  	[tilespmem:s19+$0x1800] =	vst v21  }
0x23d: {  	v21 =	vld.idx.msk [tilespmem:v22+s13+$0x0], $0xffff;
	v22 =	vadd.s32 v10, v20  }
0x23e: {  	v22 =	vand.u32 $0xFFFFFFF8, v22  }
0x23f: {  	v22 =	vor.u32 v9, v22;
	_ =	sdelay $0x3  }
0x240: {  	[tilespmem:s19+$0x1900] =	vst v21  }
0x241: {  	v21 =	vld.idx.msk [tilespmem:v22+s13+$0x0], $0xffff;
	v22 =	vadd.s32 v24, v20  }
0x242: {  	v22 =	vand.u32 $0xFFFFFFF8, v22  }
0x243: {  	v22 =	vor.u32 v11, v22;
	_ =	sdelay $0x3  }
0x244: {  	[tilespmem:s19+$0x1A00] =	vst v21  }
0x245: {  	v21 =	vld.idx.msk [tilespmem:v22+s13+$0x0], $0xffff;
	v22 =	vadd.s32 v14, v20  }
0x246: {  	v22 =	vand.u32 $0xFFFFFFF8, v22  }
0x247: {  	v22 =	vor.u32 v13, v22;
	_ =	sdelay $0x3  }
0x248: {  	[tilespmem:s19+$0x1B00] =	vst v21  }
0x249: {  	v21 =	vld.idx.msk [tilespmem:v22+s13+$0x0], $0xffff;
	v22 =	vadd.s32 v4, v20  }
0x24a: {  	v22 =	vand.u32 $0xFFFFFFF8, v22  }
0x24b: {  	v22 =	vor.u32 v15, v22;
	_ =	sdelay $0x3  }
0x24c: {  	[tilespmem:s19+$0x1C00] =	vst v21  }
0x24d: {  	v21 =	vld.idx.msk [tilespmem:v22+s13+$0x0], $0xffff;
	v22 =	vadd.s32 v16, v20  }
0x24e: {  	v22 =	vand.u32 $0xFFFFFFF8, v22  }
0x24f: {  	v22 =	vor.u32 v17, v22  }
0x250: {  	p0 =	sne.s32 s20, $0xF0  }
.Ltmp1:
0x251: {  	_ = 	snop;
	(pc) =	sbr.rel @p0 .LBB2_4-.Ltmp1, $4  }
0x252: {  	_ = 	snop  }
0x253: {  	v20 =	vadd.s32 v18, v20;
	[tilespmem:s19+$0x1D00] =	vst v21  }
0x254: {  	v21 =	vld.idx.msk [tilespmem:v22+s13+$0x0], $0xffff;
	v22 =	vand.u32 $0xFFFFFFF8, v20  }
0x255: {  	v20 =	vmov s20;
	s20 =	sadd.s32 $0x10, s20;
	v22 =	vor.u32 v19, v22  }
0x256: {  	_ =	sdelay $0x2  }
0x257: {  	[tilespmem:s19+$0x1E00] =	vst v21  }
0x258: {  	v20 =	vmul.u32 $0x41, v20;
	v22 =	vld.idx.msk [tilespmem:v22+s13+$0x0], $0xffff;
	_ =	sdelay $0x1  }
0x259: {  	v20 =	vbroadcast v20, $0x0;
	_ =	sdelay $0x1  }
0x25a: {  	v21 =	vadd.s32 v23, v20  }
0x25b: {  	v21 =	vand.u32 $0xFFFFFFF8, v21;
	[tilespmem:s19+$0x1F00] =	vst v22;
	v22 =	vld [tilespmem:$0x1FE70]  }
0x25c: {  	v21 =	vor.u32 v5, v21;
	_ =	sdelay $0x3  }
0x25d: {  	v22 =	vadd.s32 v22, v20  }
0x25e: {  	v21 =	vld.idx.msk [tilespmem:v21+s13+$0x0], $0xffff;
	v22 =	vand.u32 $0xFFFFFFF8, v22  }
0x25f: {  	v22 =	vor.u32 v7, v22;
	_ =	sdelay $0x2  }
0x260: {  	s31 =	sadd.s32 $0x10, s19  }
0x261: {  	[tilespmem:s31+$0xFFFFE000] =	vst v21;
	v21 =	vadd.s32 v25, v20  }
0x262: {  	v21 =	vand.u32 $0xFFFFFFF8, v21;
	v22 =	vld.idx.msk [tilespmem:v22+s13+$0x0], $0xffff  }
0x263: {  	v21 =	vor.u32 v9, v21;
	_ =	sdelay $0x3  }
0x264: {  	[tilespmem:s31+$0xFFFFE100] =	vst v22;
	v22 =	vadd.s32 v26, v20  }
0x265: {  	v21 =	vld.idx.msk [tilespmem:v21+s13+$0x0], $0xffff;
	v22 =	vand.u32 $0xFFFFFFF8, v22  }
0x266: {  	v22 =	vor.u32 v11, v22;
	_ =	sdelay $0x3  }
0x267: {  	[tilespmem:s31+$0xFFFFE200] =	vst v21;
	v21 =	vadd.s32 v27, v20  }
0x268: {  	v22 =	vld.idx.msk [tilespmem:v22+s13+$0x0], $0xffff;
	v21 =	vand.u32 $0xFFFFFFF8, v21  }
0x269: {  	v21 =	vor.u32 v13, v21;
	_ =	sdelay $0x3  }
0x26a: {  	[tilespmem:s31+$0xFFFFE300] =	vst v22;
	v22 =	vadd.s32 v28, v20  }
0x26b: {  	v21 =	vld.idx.msk [tilespmem:v21+s13+$0x0], $0xffff;
	v22 =	vand.u32 $0xFFFFFFF8, v22  }
0x26c: {  	v22 =	vor.u32 v15, v22;
	_ =	sdelay $0x3  }
0x26d: {  	[tilespmem:s31+$0xFFFFE400] =	vst v21;
	v21 =	vadd.s32 v29, v20  }
0x26e: {  	v22 =	vld.idx.msk [tilespmem:v22+s13+$0x0], $0xffff;
	v21 =	vand.u32 $0xFFFFFFF8, v21  }
0x26f: {  	v21 =	vor.u32 v17, v21;
	_ =	sdelay $0x3  }
0x270: {  	[tilespmem:s31+$0xFFFFE500] =	vst v22;
	v22 =	vadd.s32 v30, v20  }
0x271: {  	v21 =	vld.idx.msk [tilespmem:v21+s13+$0x0], $0xffff;
	v22 =	vand.u32 $0xFFFFFFF8, v22  }
0x272: {  	v22 =	vor.u32 v19, v22;
	_ =	sdelay $0x3  }
0x273: {  	[tilespmem:s31+$0xFFFFE600] =	vst v21;
	v21 =	vadd.s32 v31, v20  }
0x274: {  	v22 =	vld.idx.msk [tilespmem:v22+s13+$0x0], $0xffff;
	v21 =	vand.u32 $0xFFFFFFF8, v21  }
0x275: {  	v21 =	vor.u32 v5, v21;
	_ =	sdelay $0x3  }
0x276: {  	[tilespmem:s31+$0xFFFFE700] =	vst v22;
	v22 =	vadd.s32 v42, v20  }
0x277: {  	v21 =	vld.idx.msk [tilespmem:v21+s13+$0x0], $0xffff;
	v22 =	vand.u32 $0xFFFFFFF8, v22  }
0x278: {  	v22 =	vor.u32 v7, v22;
	_ =	sdelay $0x3  }
0x279: {  	[tilespmem:s31+$0xFFFFE800] =	vst v21;
	v21 =	vadd.s32 v43, v20  }
0x27a: {  	v22 =	vld.idx.msk [tilespmem:v22+s13+$0x0], $0xffff;
	v21 =	vand.u32 $0xFFFFFFF8, v21  }
0x27b: {  	v21 =	vor.u32 v9, v21;
	_ =	sdelay $0x3  }
0x27c: {  	[tilespmem:s31+$0xFFFFE900] =	vst v22;
	v22 =	vadd.s32 v34, v20  }
0x27d: {  	v21 =	vld.idx.msk [tilespmem:v21+s13+$0x0], $0xffff;
	v22 =	vand.u32 $0xFFFFFFF8, v22  }
0x27e: {  	v22 =	vor.u32 v11, v22;
	_ =	sdelay $0x3  }
0x27f: {  	[tilespmem:s31+$0xFFFFEA00] =	vst v21;
	v21 =	vadd.s32 v35, v20  }
0x280: {  	v22 =	vld.idx.msk [tilespmem:v22+s13+$0x0], $0xffff;
	v21 =	vand.u32 $0xFFFFFFF8, v21  }
0x281: {  	v21 =	vor.u32 v13, v21;
	_ =	sdelay $0x3  }
0x282: {  	[tilespmem:s31+$0xFFFFEB00] =	vst v22;
	v22 =	vadd.s32 v36, v20  }
0x283: {  	v21 =	vld.idx.msk [tilespmem:v21+s13+$0x0], $0xffff;
	v22 =	vand.u32 $0xFFFFFFF8, v22  }
0x284: {  	v22 =	vor.u32 v15, v22;
	_ =	sdelay $0x3  }
0x285: {  	[tilespmem:s31+$0xFFFFEC00] =	vst v21;
	v21 =	vadd.s32 v37, v20  }
0x286: {  	v22 =	vld.idx.msk [tilespmem:v22+s13+$0x0], $0xffff;
	v21 =	vand.u32 $0xFFFFFFF8, v21  }
0x287: {  	v21 =	vor.u32 v17, v21;
	_ =	sdelay $0x3  }
0x288: {  	[tilespmem:s31+$0xFFFFED00] =	vst v22;
	v22 =	vadd.s32 v38, v20  }
0x289: {  	v21 =	vld.idx.msk [tilespmem:v21+s13+$0x0], $0xffff;
	v22 =	vand.u32 $0xFFFFFFF8, v22  }
0x28a: {  	v22 =	vor.u32 v19, v22;
	_ =	sdelay $0x3  }
0x28b: {  	[tilespmem:s31+$0xFFFFEE00] =	vst v21;
	v21 =	vadd.s32 v39, v20  }
0x28c: {  	v22 =	vld.idx.msk [tilespmem:v22+s13+$0x0], $0xffff;
	v21 =	vand.u32 $0xFFFFFFF8, v21  }
0x28d: {  	v21 =	vor.u32 v5, v21;
	_ =	sdelay $0x3  }
0x28e: {  	[tilespmem:s31+$0xFFFFEF00] =	vst v22;
	v22 =	vadd.s32 v40, v20  }
0x28f: {  	v21 =	vld.idx.msk [tilespmem:v21+s13+$0x0], $0xffff;
	v22 =	vand.u32 $0xFFFFFFF8, v22  }
0x290: {  	v22 =	vor.u32 v7, v22;
	_ =	sdelay $0x3  }
0x291: {  	[tilespmem:s31+$0xFFFFF000] =	vst v21;
	v21 =	vadd.s32 v41, v20  }
0x292: {  	v22 =	vld.idx.msk [tilespmem:v22+s13+$0x0], $0xffff;
	v21 =	vand.u32 $0xFFFFFFF8, v21  }
0x293: {  	v21 =	vor.u32 v9, v21;
	_ =	sdelay $0x3  }
0x294: {  	[tilespmem:s31+$0xFFFFF100] =	vst v22;
	v22 =	vadd.s32 v52, v20  }
0x295: {  	v21 =	vld.idx.msk [tilespmem:v21+s13+$0x0], $0xffff;
	v22 =	vand.u32 $0xFFFFFFF8, v22  }
0x296: {  	v22 =	vor.u32 v11, v22;
	_ =	sdelay $0x3  }
0x297: {  	[tilespmem:s31+$0xFFFFF200] =	vst v21;
	v21 =	vadd.s32 v53, v20  }
0x298: {  	v22 =	vld.idx.msk [tilespmem:v22+s13+$0x0], $0xffff;
	v21 =	vand.u32 $0xFFFFFFF8, v21  }
0x299: {  	v21 =	vor.u32 v13, v21;
	_ =	sdelay $0x3  }
0x29a: {  	[tilespmem:s31+$0xFFFFF300] =	vst v22;
	v22 =	vadd.s32 v44, v20  }
0x29b: {  	v21 =	vld.idx.msk [tilespmem:v21+s13+$0x0], $0xffff;
	v22 =	vand.u32 $0xFFFFFFF8, v22  }
0x29c: {  	v22 =	vor.u32 v15, v22;
	_ =	sdelay $0x3  }
0x29d: {  	[tilespmem:s31+$0xFFFFF400] =	vst v21;
	v21 =	vadd.s32 v45, v20  }
0x29e: {  	v22 =	vld.idx.msk [tilespmem:v22+s13+$0x0], $0xffff;
	v21 =	vand.u32 $0xFFFFFFF8, v21  }
0x29f: {  	v21 =	vor.u32 v17, v21;
	_ =	sdelay $0x3  }
0x2a0: {  	[tilespmem:s31+$0xFFFFF500] =	vst v22;
	v22 =	vadd.s32 v46, v20  }
0x2a1: {  	v21 =	vld.idx.msk [tilespmem:v21+s13+$0x0], $0xffff;
	v22 =	vand.u32 $0xFFFFFFF8, v22  }
0x2a2: {  	v22 =	vor.u32 v19, v22;
	_ =	sdelay $0x3  }
0x2a3: {  	[tilespmem:s31+$0xFFFFF600] =	vst v21;
	v21 =	vadd.s32 v47, v20  }
0x2a4: {  	v22 =	vld.idx.msk [tilespmem:v22+s13+$0x0], $0xffff;
	v21 =	vand.u32 $0xFFFFFFF8, v21  }
0x2a5: {  	v21 =	vor.u32 v5, v21;
	_ =	sdelay $0x3  }
0x2a6: {  	[tilespmem:s31+$0xFFFFF700] =	vst v22;
	v22 =	vadd.s32 v48, v20  }
0x2a7: {  	v21 =	vld.idx.msk [tilespmem:v21+s13+$0x0], $0xffff;
	v22 =	vand.u32 $0xFFFFFFF8, v22  }
0x2a8: {  	v22 =	vor.u32 v7, v22;
	_ =	sdelay $0x3  }
0x2a9: {  	[tilespmem:s31+$0xFFFFF800] =	vst v21;
	v21 =	vadd.s32 v49, v20  }
0x2aa: {  	v22 =	vld.idx.msk [tilespmem:v22+s13+$0x0], $0xffff;
	v21 =	vand.u32 $0xFFFFFFF8, v21  }
0x2ab: {  	v21 =	vor.u32 v9, v21;
	_ =	sdelay $0x3  }
0x2ac: {  	[tilespmem:s31+$0xFFFFF900] =	vst v22;
	v22 =	vadd.s32 v50, v20  }
0x2ad: {  	v21 =	vld.idx.msk [tilespmem:v21+s13+$0x0], $0xffff;
	v22 =	vand.u32 $0xFFFFFFF8, v22  }
0x2ae: {  	v22 =	vor.u32 v11, v22;
	_ =	sdelay $0x3  }
0x2af: {  	[tilespmem:s31+$0xFFFFFA00] =	vst v21;
	v21 =	vadd.s32 v51, v20  }
0x2b0: {  	v22 =	vld.idx.msk [tilespmem:v22+s13+$0x0], $0xffff;
	v21 =	vand.u32 $0xFFFFFFF8, v21  }
0x2b1: {  	v21 =	vor.u32 v13, v21;
	_ =	sdelay $0x2  }
0x2b2: {  	v43 =	vmovc v45;
	v45 =	vmov v46;
	v46 =	vmov v47;
	v47 =	vmov v48  }
0x2b3: {  	v48 =	vmovc v49;
	v49 =	vmovc v50;
	v50 =	vmov v51;
	v51 =	vmov v62;
	[tilespmem:s31+$0xFFFFFB00] =	vst v22;
	v22 =	vadd.s32 v62, v20;
	v62 =	vld [tilespmem:$0x1FF70]  }
0x2b4: {  	v21 =	vld.idx.msk [tilespmem:v21+s13+$0x0], $0xffff;
	v22 =	vand.u32 $0xFFFFFFF8, v22  }
0x2b5: {  	v22 =	vor.u32 v15, v22;
	_ =	sdelay $0x3  }
0x2b6: {  	[tilespmem:s31+$0xFFFFFC00] =	vst v21;
	v21 =	vadd.s32 v62, v20  }
0x2b7: {  	v22 =	vld.idx.msk [tilespmem:v22+s13+$0x0], $0xffff;
	v21 =	vand.u32 $0xFFFFFFF8, v21  }
0x2b8: {  	v21 =	vor.u32 v17, v21;
	_ =	sdelay $0x3  }
0x2b9: {  	[tilespmem:s31+$0xFFFFFD00] =	vst v22;
	v22 =	vadd.s32 v54, v20  }
0x2ba: {  	v21 =	vld.idx.msk [tilespmem:v21+s13+$0x0], $0xffff;
	v22 =	vand.u32 $0xFFFFFFF8, v22  }
0x2bb: {  	v22 =	vor.u32 v19, v22;
	_ =	sdelay $0x3  }
0x2bc: {  	[tilespmem:s31+$0xFFFFFE00] =	vst v21;
	v21 =	vadd.s32 v55, v20  }
0x2bd: {  	v22 =	vld.idx.msk [tilespmem:v22+s13+$0x0], $0xffff;
	v21 =	vand.u32 $0xFFFFFFF8, v21  }
0x2be: {  	v21 =	vor.u32 v5, v21;
	_ =	sdelay $0x3  }
0x2bf: {  	[tilespmem:s31+$0xFFFFFF00] =	vst v22;
	v22 =	vadd.s32 v56, v20  }
0x2c0: {  	v21 =	vld.idx.msk [tilespmem:v21+s13+$0x0], $0xffff;
	v22 =	vand.u32 $0xFFFFFFF8, v22  }
0x2c1: {  	v22 =	vor.u32 v7, v22;
	_ =	sdelay $0x3  }
0x2c2: {  	[tilespmem:s31+$0x0] =	vst v21;
	v21 =	vadd.s32 v57, v20  }
0x2c3: {  	v22 =	vld.idx.msk [tilespmem:v22+s13+$0x0], $0xffff;
	v21 =	vand.u32 $0xFFFFFFF8, v21  }
0x2c4: {  	v21 =	vor.u32 v9, v21;
	_ =	sdelay $0x3  }
0x2c5: {  	[tilespmem:s31+$0x100] =	vst v22;
	v22 =	vadd.s32 v58, v20  }
0x2c6: {  	v21 =	vld.idx.msk [tilespmem:v21+s13+$0x0], $0xffff;
	v22 =	vand.u32 $0xFFFFFFF8, v22  }
0x2c7: {  	v22 =	vor.u32 v11, v22;
	_ =	sdelay $0x3  }
0x2c8: {  	[tilespmem:s31+$0x200] =	vst v21;
	v21 =	vadd.s32 v59, v20  }
0x2c9: {  	v22 =	vld.idx.msk [tilespmem:v22+s13+$0x0], $0xffff;
	v21 =	vand.u32 $0xFFFFFFF8, v21  }
0x2ca: {  	v21 =	vor.u32 v13, v21;
	_ =	sdelay $0x3  }
0x2cb: {  	[tilespmem:s31+$0x300] =	vst v22;
	v22 =	vadd.s32 v60, v20  }
0x2cc: {  	v21 =	vld.idx.msk [tilespmem:v21+s13+$0x0], $0xffff;
	v22 =	vand.u32 $0xFFFFFFF8, v22  }
0x2cd: {  	v22 =	vor.u32 v15, v22;
	_ =	sdelay $0x3  }
0x2ce: {  	[tilespmem:s31+$0x400] =	vst v21;
	v21 =	vadd.s32 v61, v20  }
0x2cf: {  	v22 =	vld.idx.msk [tilespmem:v22+s13+$0x0], $0xffff;
	v21 =	vand.u32 $0xFFFFFFF8, v21  }
0x2d0: {  	v21 =	vor.u32 v17, v21;
	_ =	sdelay $0x3  }
0x2d1: {  	v29 =	vld [tilespmem:$0x1FF50];
	[tilespmem:s31+$0x500] =	vst v22;
	v22 =	vadd.s32 v63, v20  }
0x2d2: {  	v21 =	vld.idx.msk [tilespmem:v21+s13+$0x0], $0xffff;
	v22 =	vand.u32 $0xFFFFFFF8, v22  }
0x2d3: {  	v22 =	vor.u32 v19, v22;
	_ =	sdelay $0x3  }
0x2d4: {  	v30 =	vld [tilespmem:$0x1FF40];
	[tilespmem:s31+$0x600] =	vst v21;
	v21 =	vadd.s32 v29, v20  }
0x2d5: {  	v22 =	vld.idx.msk [tilespmem:v22+s13+$0x0], $0xffff;
	v21 =	vand.u32 $0xFFFFFFF8, v21  }
0x2d6: {  	v21 =	vor.u32 v5, v21;
	_ =	sdelay $0x3  }
0x2d7: {  	v31 =	vld [tilespmem:$0x1FF30];
	[tilespmem:s31+$0x700] =	vst v22;
	v22 =	vadd.s32 v30, v20  }
0x2d8: {  	v21 =	vld.idx.msk [tilespmem:v21+s13+$0x0], $0xffff;
	v22 =	vand.u32 $0xFFFFFFF8, v22  }
0x2d9: {  	v22 =	vor.u32 v7, v22;
	_ =	sdelay $0x3  }
0x2da: {  	v35 =	vld [tilespmem:$0x1FF20];
	[tilespmem:s31+$0x800] =	vst v21;
	v21 =	vadd.s32 v31, v20  }
0x2db: {  	v22 =	vld.idx.msk [tilespmem:v22+s13+$0x0], $0xffff;
	v21 =	vand.u32 $0xFFFFFFF8, v21  }
0x2dc: {  	v21 =	vor.u32 v9, v21;
	_ =	sdelay $0x3  }
0x2dd: {  	v27 =	vld [tilespmem:$0x1FF10];
	[tilespmem:s31+$0x900] =	vst v22;
	v22 =	vadd.s32 v35, v20  }
0x2de: {  	v21 =	vld.idx.msk [tilespmem:v21+s13+$0x0], $0xffff;
	v22 =	vand.u32 $0xFFFFFFF8, v22  }
0x2df: {  	v22 =	vor.u32 v11, v22;
	_ =	sdelay $0x3  }
0x2e0: {  	v26 =	vmov v36;
	v36 =	vld [tilespmem:$0x1FF00];
	[tilespmem:s31+$0xA00] =	vst v21;
	v21 =	vadd.s32 v27, v20  }
0x2e1: {  	v22 =	vld.idx.msk [tilespmem:v22+s13+$0x0], $0xffff;
	v21 =	vand.u32 $0xFFFFFFF8, v21  }
0x2e2: {  	v21 =	vor.u32 v13, v21;
	_ =	sdelay $0x2  }
0x2e3: {  	v25 =	vmov v37;
	v37 =	vmov v38  }
0x2e4: {  	v38 =	vmovc v39;
	v39 =	vmovc v40;
	v40 =	vmov v41;
	v41 =	vmov v52;
	v52 =	vld [tilespmem:$0x1FEF0];
	[tilespmem:s31+$0xB00] =	vst v22;
	v22 =	vadd.s32 v36, v20  }
0x2e5: {  	v21 =	vld.idx.msk [tilespmem:v21+s13+$0x0], $0xffff;
	v22 =	vand.u32 $0xFFFFFFF8, v22  }
0x2e6: {  	v22 =	vor.u32 v15, v22;
	_ =	sdelay $0x1  }
0x2e7: {  	v23 =	vmov v42  }
0x2e8: {  	v42 =	vmovc v53;
	v53 =	vmovc v44;
	v44 =	vmov v54;
	v54 =	vmov v55;
	v55 =	vmov v56  }
0x2e9: {  	v56 =	vmovc v57;
	v57 =	vmovc v58;
	v58 =	vmov v59;
	v59 =	vmov v60;
	v60 =	vld [tilespmem:$0x1FEE0];
	[tilespmem:s31+$0xC00] =	vst v21;
	v21 =	vadd.s32 v52, v20  }
0x2ea: {  	v22 =	vld.idx.msk [tilespmem:v22+s13+$0x0], $0xffff;
	v21 =	vand.u32 $0xFFFFFFF8, v21  }
0x2eb: {  	v21 =	vor.u32 v17, v21;
	_ =	sdelay $0x3  }
0x2ec: {  	v63 =	vld [tilespmem:$0x1FED0];
	[tilespmem:s31+$0xD00] =	vst v22;
	v22 =	vadd.s32 v60, v20  }
0x2ed: {  	v21 =	vld.idx.msk [tilespmem:v21+s13+$0x0], $0xffff;
	v22 =	vand.u32 $0xFFFFFFF8, v22  }
0x2ee: {  	v22 =	vor.u32 v19, v22;
	_ =	sdelay $0x3  }
0x2ef: {  	[tilespmem:s31+$0xE00] =	vst v21;
	v21 =	vadd.s32 v63, v20  }
0x2f0: {  	v22 =	vld.idx.msk [tilespmem:v22+s13+$0x0], $0xffff;
	v21 =	vand.u32 $0xFFFFFFF8, v21  }
0x2f1: {  	v21 =	vor.u32 v5, v21;
	_ =	sdelay $0x3  }
0x2f2: {  	[tilespmem:s31+$0xF00] =	vst v22;
	v22 =	vadd.s32 v32, v20  }
0x2f3: {  	v21 =	vld.idx.msk [tilespmem:v21+s13+$0x0], $0xffff;
	v22 =	vand.u32 $0xFFFFFFF8, v22  }
0x2f4: {  	v22 =	vor.u32 v7, v22;
	_ =	sdelay $0x3  }
0x2f5: {  	[tilespmem:s31+$0x1000] =	vst v21;
	v21 =	vadd.s32 v33, v20  }
0x2f6: {  	v22 =	vld.idx.msk [tilespmem:v22+s13+$0x0], $0xffff;
	v21 =	vand.u32 $0xFFFFFFF8, v21  }
0x2f7: {  	v21 =	vor.u32 v9, v21;
	_ =	sdelay $0x3  }
0x2f8: {  	[tilespmem:s31+$0x1100] =	vst v22;
	v22 =	vadd.s32 v8, v20  }
0x2f9: {  	v21 =	vld.idx.msk [tilespmem:v21+s13+$0x0], $0xffff;
	v22 =	vand.u32 $0xFFFFFFF8, v22  }
0x2fa: {  	v22 =	vor.u32 v11, v22;
	_ =	sdelay $0x3  }
0x2fb: {  	v0 =	vadd.s32 v0, v20;
	[tilespmem:s31+$0x1200] =	vst v21  }
0x2fc: {  	v0 =	vand.u32 $0xFFFFFFF8, v0;
	v21 =	vld.idx.msk [tilespmem:v22+s13+$0x0], $0xffff  }
0x2fd: {  	v0 =	vor.u32 v13, v0;
	_ =	sdelay $0x3  }
0x2fe: {  	v1 =	vadd.s32 v1, v20;
	[tilespmem:s31+$0x1300] =	vst v21  }
0x2ff: {  	v1 =	vand.u32 $0xFFFFFFF8, v1;
	v0 =	vld.idx.msk [tilespmem:v0+s13+$0x0], $0xffff  }
0x300: {  	v1 =	vor.u32 v15, v1;
	_ =	sdelay $0x3  }
0x301: {  	[tilespmem:s31+$0x1400] =	vst v0;
	v0 =	vadd.s32 v2, v20  }
0x302: {  	v1 =	vld.idx.msk [tilespmem:v1+s13+$0x0], $0xffff;
	v0 =	vand.u32 $0xFFFFFFF8, v0  }
0x303: {  	v0 =	vor.u32 v17, v0;
	_ =	sdelay $0x3  }
0x304: {  	[tilespmem:s31+$0x1500] =	vst v1;
	v1 =	vadd.s32 v3, v20  }
0x305: {  	v0 =	vld.idx.msk [tilespmem:v0+s13+$0x0], $0xffff;
	v1 =	vand.u32 $0xFFFFFFF8, v1  }
0x306: {  	v1 =	vor.u32 v19, v1;
	_ =	sdelay $0x3  }
0x307: {  	[tilespmem:s31+$0x1600] =	vst v0;
	v0 =	vadd.s32 v6, v20  }
0x308: {  	v1 =	vld.idx.msk [tilespmem:v1+s13+$0x0], $0xffff;
	v0 =	vand.u32 $0xFFFFFFF8, v0  }
0x309: {  	v0 =	vor.u32 v5, v0;
	_ =	sdelay $0x3  }
0x30a: {  	[tilespmem:s31+$0x1700] =	vst v1;
	v1 =	vadd.s32 v12, v20  }
0x30b: {  	v0 =	vld.idx.msk [tilespmem:v0+s13+$0x0], $0xffff;
	v1 =	vand.u32 $0xFFFFFFF8, v1  }
0x30c: {  	v1 =	vor.u32 v7, v1;
	_ =	sdelay $0x3  }
0x30d: {  	[tilespmem:s31+$0x1800] =	vst v0;
	v0 =	vadd.s32 v10, v20  }
0x30e: {  	v1 =	vld.idx.msk [tilespmem:v1+s13+$0x0], $0xffff;
	v0 =	vand.u32 $0xFFFFFFF8, v0  }
0x30f: {  	v0 =	vor.u32 v9, v0;
	_ =	sdelay $0x3  }
0x310: {  	[tilespmem:s31+$0x1900] =	vst v1;
	v1 =	vadd.s32 v24, v20  }
0x311: {  	v0 =	vld.idx.msk [tilespmem:v0+s13+$0x0], $0xffff;
	v1 =	vand.u32 $0xFFFFFFF8, v1  }
0x312: {  	v1 =	vor.u32 v11, v1;
	_ =	sdelay $0x3  }
0x313: {  	[tilespmem:s31+$0x1A00] =	vst v0;
	v0 =	vadd.s32 v14, v20  }
0x314: {  	v1 =	vld.idx.msk [tilespmem:v1+s13+$0x0], $0xffff;
	v0 =	vand.u32 $0xFFFFFFF8, v0  }
0x315: {  	v0 =	vor.u32 v13, v0;
	_ =	sdelay $0x3  }
0x316: {  	[tilespmem:s31+$0x1B00] =	vst v1;
	v1 =	vadd.s32 v4, v20  }
0x317: {  	v0 =	vld.idx.msk [tilespmem:v0+s13+$0x0], $0xffff;
	v1 =	vand.u32 $0xFFFFFFF8, v1  }
0x318: {  	v1 =	vor.u32 v15, v1;
	_ =	sdelay $0x3  }
0x319: {  	[tilespmem:s31+$0x1C00] =	vst v0;
	v0 =	vadd.s32 v16, v20  }
0x31a: {  	v1 =	vld.idx.msk [tilespmem:v1+s13+$0x0], $0xffff;
	v0 =	vand.u32 $0xFFFFFFF8, v0  }
0x31b: {  	v0 =	vor.u32 v17, v0;
	_ =	sdelay $0x3  }
0x31c: {  	[tilespmem:s31+$0x1D00] =	vst v1;
	v1 =	vadd.s32 v18, v20  }
0x31d: {  	v0 =	vld.idx.msk [tilespmem:v0+s13+$0x0], $0xffff;
	v1 =	vand.u32 $0xFFFFFFF8, v1  }
0x31e: {  	v1 =	vor.u32 v19, v1;
	_ =	sdelay $0x3  }
0x31f: {  	[tilespmem:s31+$0x1E00] =	vst v0  }
0x320: {  	v0 =	vld.idx.msk [tilespmem:v1+s13+$0x0], $0xffff;
	_ =	sdelay $0x4  }
0x321: {  	[tilespmem:s31+$0x1F00] =	vst v0  }
0x322: {  	[hbm4b:s4+s14] =	stream.indirect.scatter [tilespmem:s16], [sflag:$0x3], $0x100, s15, s14, $0xb8;
	[tilespmem:$0xC240] =	vst v63  }
0x323: {  	_ =	swait.ge [sflag:s17], $0x4000  }
0x324: {  	v14 =	vld [tilespmem:$0x1FF80]  }
0x325: {  	s18 =	sadd.s32 $0x1, s18;
	v18 =	vld [tilespmem:$0x1FF90]  }
0x326: {  	p0 =	sne.s32 s18, s7;
	v1 =	vld [tilespmem:$0x1FFA0]  }
.Ltmp2:
0x327: {  	v32 =	vmovc v53;
	v8 =	vmov v62;
	v21 =	vmov v26;
	v26 =	vmov v38;
	v0 =	vld [tilespmem:$0x1FFC0];
	(pc) =	sbr.rel @p0 .LBB2_1-.Ltmp2, $4  }
0x328: {  	v38 =	vmovc v48;
	v48 =	vmovc v58;
	v3 =	vmov v39;
	v39 =	vmov v49;
	v49 =	vmov v59;
	v20 =	vld [tilespmem:$0x1FFB0]  }
0x329: {  	v6 =	vmovc v46;
	v46 =	vmovc v56;
	v12 =	vmov v37;
	v37 =	vmov v47;
	v47 =	vmov v57;
	v63 =	vld [tilespmem:$0x1FFD0]  }
0x32a: {  	v10 =	vmovc v44;
	v44 =	vmovc v54;
	v24 =	vmov v45;
	v45 =	vmov v55;
	v4 =	vmov v41;
	[sflag:s17] =	ssyncset.done $0x0;
	v33 =	vld [tilespmem:$0x1FFE0]  }
0x32b: {  	v41 =	vmovc v51;
	v16 =	vmovc v25;
	v25 =	vmov v40;
	v40 =	vmov v50;
	v50 =	vmov v61;
	v22 =	vld [tilespmem:$0x1FFF0];
	[sflag:s17] =	ssyncadd.s32 $0xFFFFC000  }
0x32c: {  	_ =	sfence.sel $0x180000  }
0x32d: {  	[bflag:$0x0] =	sbarrier.arrive $0xFFFF  }
0x32e: {  	p0 =	sne.s32 s0, $0x0;
	_ =	strace $0x90000047  }
0x32f: {  	s0 =	sadd.s32 @!p0 $0x100000, s1;
	[bflag:$0x2] =	sbarrier.arrive $0xFFFF  }
0x330: {  	[sflag:s0] =	ssyncadd.tile.s32 @!p0 $0x1;
	_ =	shalt  }
.Lfunc_end2:
_tile_overlayer_lowered:
.L_overlay_start_2:
0x331: {  	(tag) =	ssettag $0x2  }
0x332: {  	s0 =	rddreg [dreg:$0x0];
	s2 =	stileid.u32  }
0x333: {  	s1 =	rddreg [dreg:$0x1];
	p0 =	sne.s32 s2, $0x0  }
0x334: {  	s3 =	rddreg [dreg:$0x2];
	[bflag:$0x3] =	sbarrier.arrive $0xFFFF;
	s2 =	simm.s32 @!p0 $0x1C03  }
0x335: {  	[timem:s3], [sflag:s2] =	dma.local @!p0 [hbm:s0], s1  }
0x336: {  	s0 =	simm.s32 @!p0 $0x3  }
0x337: {  	_ =	swait.ge @!p0 [sflag:s0], s1  }
0x338: {  	s1 =	ssub.s32 @!p0 $0x0, s1;
	[sflag:s0] =	ssyncset.done @!p0 $0x0  }
0x339: {  	[sflag:s0] =	ssyncadd.s32 @!p0 s1  }
0x33a: {  	[bflag:$0x3] =	sbarrier.arrive $0xFFFF  }
0x33b: {  	_ =	shalt  }

</sc_bundles>
